<compile_context>
chip_gen: v7x
topology: tpu7x:2x2x1
jax: 0.10.2.dev20260603
libtpu: 0.0.44.dev20260713+nightly
codegen_flags: <defaults>
</compile_context>

<pallas_src>
import functools

import jax
import jax.numpy as jnp
from jax import lax
from jax.experimental import pallas as pl
from jax.experimental.pallas import tpu as pltpu
from jax.experimental.pallas import tpu_sc as plsc

_COMMITMENT_COST = 0.25
_NC, _NS, _L = 2, 16, 16
_NW = _NC * _NS


def _vq_argmin_block(xt_ref, w_ref, idx_ref, loss_ref):
    w = w_ref[...]
    w_sq = jnp.sum(w * w, axis=1, keepdims=True)

    @pl.when(pl.program_id(0) == 0)
    def _init():
        loss_ref[0, 0] = 0.0

    part = jnp.float32(0)
    for b in range(xt_ref.shape[0]):
        xt = xt_ref[b]
        x_sq = jnp.sum(xt * xt, axis=0, keepdims=True)
        dot = jnp.dot(w, xt, preferred_element_type=jnp.float32)
        d = (x_sq + w_sq) - 2.0 * dot
        m = jnp.min(d, axis=0, keepdims=True)
        rows = lax.broadcasted_iota(jnp.int32, d.shape, 0)
        idx = jnp.min(jnp.where(d == m, rows, d.shape[0]),
                      axis=0, keepdims=True)
        idx_ref[b] = idx
        part = part + jnp.sum(m)

    loss_ref[0, 0] += part


_BB = 16


def _tc_argmin(xt, w):
    b, d, p = xt.shape
    k = w.shape[0]
    return pl.pallas_call(
        _vq_argmin_block,
        grid=(b // _BB,),
        in_specs=[
            pl.BlockSpec((_BB, d, p), lambda i: (i, 0, 0)),
            pl.BlockSpec((k, d), lambda i: (0, 0)),
        ],
        out_specs=[
            pl.BlockSpec((_BB, 1, p), lambda i: (i, 0, 0)),
            pl.BlockSpec((1, 1), lambda i: (0, 0), memory_space=pltpu.SMEM),
        ],
        out_shape=[
            jax.ShapeDtypeStruct((b, 1, p), jnp.int32),
            jax.ShapeDtypeStruct((1, 1), jnp.float32),
        ],
    )(xt, w)


def _sc_gather(weight, idx):
    n = idx.shape[0]
    d = weight.shape[1]
    b_per_w = n // _NW
    mesh = plsc.VectorSubcoreMesh(core_axis_name="c", subcore_axis_name="s")

    half = b_per_w // 2

    @functools.partial(
        pl.kernel, mesh=mesh,
        compiler_params=pltpu.CompilerParams(
            needs_layout_passes=False, use_tc_tiling_on_sc=False),
        out_type=jax.ShapeDtypeStruct((n, d), jnp.float32),
        scratch_types=[
            pltpu.VMEM((b_per_w,), jnp.int32),
            pltpu.VMEM((half, d), jnp.float32),
            pltpu.VMEM((half, d), jnp.float32),
            pltpu.SemaphoreType.DMA,
            pltpu.SemaphoreType.DMA,
            pltpu.SemaphoreType.DMA,
            pltpu.SemaphoreType.DMA,
        ],
    )
    def k(table_hbm, idx_hbm, out_hbm, idx_v, rows_a, rows_b,
          sem_a, sem_b, sem_wa, sem_wb):
        wid = lax.axis_index("s") * _NC + lax.axis_index("c")
        base = wid * b_per_w
        pltpu.sync_copy(idx_hbm.at[pl.ds(base, b_per_w)], idx_v)
        ga = pltpu.async_copy(
            table_hbm.at[idx_v.at[pl.ds(0, half)]], rows_a, sem_a)
        gb = pltpu.async_copy(
            table_hbm.at[idx_v.at[pl.ds(half, half)]], rows_b, sem_b)
        ga.wait()
        wa = pltpu.async_copy(
            rows_a, out_hbm.at[pl.ds(base, half)], sem_wa)
        gb.wait()
        wb = pltpu.async_copy(
            rows_b, out_hbm.at[pl.ds(base + half, half)], sem_wb)
        wa.wait()
        wb.wait()

    return k(weight, idx)


@jax.jit
def _vq(inputs, weight):
    d = weight.shape[1]
    xt = inputs.transpose(0, 2, 1)
    idx, loss_sum = _tc_argmin(xt, weight)
    q = _sc_gather(weight, idx.reshape(-1))
    mean_sq = loss_sum[0, 0] / jnp.float32(inputs.size)
    return (q.reshape(inputs.shape), mean_sq, _COMMITMENT_COST * mean_sq)


def kernel(inputs, weight):
    return _vq(inputs, weight)

# --- scband reference (transcript-rebuilt; emitter-appended) ---
"""Pipeline reference for scband-vector-quantizer-28106265985618 (READ-ONLY COPY).

The authoritative reference and input builder live on the scoring server;
editing this copy changes nothing except your own understanding.
"""

import jax, jax.numpy as jnp
import numpy as np

NUM_EMBEDDINGS = 512
EMBEDDING_DIM = 32
COMMITMENT_COST = 0.25


def setup_inputs(seed: int = 0) -> dict:
    key = jax.random.key(seed)
    k1, k2 = jax.random.split(key)
    inputs = jax.random.normal(k1, (64, 1024, EMBEDDING_DIM), dtype=jnp.float32)
    weight = jax.random.uniform(
        k2, (NUM_EMBEDDINGS, EMBEDDING_DIM), dtype=jnp.float32,
        minval=-1.0 / NUM_EMBEDDINGS, maxval=1.0 / NUM_EMBEDDINGS)
    return {"inputs": inputs, "weight": weight}


def reference(inputs, weight):
    d = weight.shape[1]
    flat_inputs = inputs.reshape(-1, d)
    distances = (jnp.sum(flat_inputs ** 2, axis=1, keepdims=True)
                 + jnp.sum(weight ** 2, axis=1)
                 - 2.0 * jnp.matmul(flat_inputs, weight.T))
    encoding_indices = jnp.argmin(distances, axis=1)
    quantized = jnp.take(weight, encoding_indices, axis=0).reshape(inputs.shape)
    commitment_loss = COMMITMENT_COST * jnp.mean(
        (jax.lax.stop_gradient(quantized) - inputs) ** 2)
    quantization_loss = jnp.mean(
        (quantized - jax.lax.stop_gradient(inputs)) ** 2)
    quantized_st = inputs + jax.lax.stop_gradient(quantized - inputs)
    return (quantized_st, quantization_loss, commitment_loss)

if __name__ == "__main__":
    import jax
    _d = setup_inputs()
    print(jax.jit(kernel)(*tuple(_d.values())))

</pallas_src>

<mosaic_0001>
#map = affine_map<(d0, d1) -> (0, 0)>
#map1 = affine_map<(d0, d1) -> (0)>
module attributes {stable_mosaic.version = 14 : i64} {
  func.func @k(%arg0: i32, %arg1: i32, %arg2: memref<512x32xf32, #tpu.memory_space<hbm>>, %arg3: memref<65536xi32, #tpu.memory_space<hbm>>, %arg4: memref<65536x32xf32, #tpu.memory_space<hbm>>, %arg5: memref<2048xi32, #tpu.memory_space<vmem>>, %arg6: memref<1024x32xf32, #tpu.memory_space<vmem>>, %arg7: memref<1024x32xf32, #tpu.memory_space<vmem>>, %arg8: memref<!tpu.dma_semaphore, #tpu.memory_space<semaphore_mem>>, %arg9: memref<!tpu.dma_semaphore, #tpu.memory_space<semaphore_mem>>, %arg10: memref<!tpu.dma_semaphore, #tpu.memory_space<semaphore_mem>>, %arg11: memref<!tpu.dma_semaphore, #tpu.memory_space<semaphore_mem>>) attributes {dimension_semantics = [#tpu.dimension_semantics<core_parallel>, #tpu.dimension_semantics<subcore_parallel>], iteration_bounds = array<i64: 2, 16>, scalar_prefetch = 0 : i64, scratch_operands = 7 : i64, tpu.core_type = #tpu.core_type<sc_vector_subcore>, window_params = [{transform_indices = #map}, {transform_indices = #map1}, {transform_indices = #map}]} {
    %mul3A = arith.constant 2 : i32
    %mul3A_0 = arith.muli %arg1, %mul3A : i32
    %add3A = arith.addi %mul3A_0, %arg0 : i32
    %mul3A_1 = arith.constant 2048 : i32
    %mul3A_2 = arith.muli %add3A, %mul3A_1 : i32
    "tpu.region"() ({
      %run_scoped3A = tpu.sem_alloc : memref<!tpu.dma_semaphore, #tpu.memory_space<semaphore_mem>>
      %dma_start3A_39 = tpu.memref_slice %arg3[%mul3A_2] : memref<65536xi32, #tpu.memory_space<hbm>> -> memref<2048xi32, #tpu.memory_space<hbm>>
      %dma_start3A_40 = tpu.memref_slice %arg3[%mul3A_2] : memref<65536xi32, #tpu.memory_space<hbm>> -> memref<2048xi32, #tpu.memory_space<hbm>>
      tpu.enqueue_dma source(%dma_start3A_40 : memref<2048xi32, #tpu.memory_space<hbm>>) target(%arg5 : memref<2048xi32, #tpu.memory_space<vmem>>) target_semaphore(%run_scoped3A : memref<!tpu.dma_semaphore, #tpu.memory_space<semaphore_mem>>)
      %dma_wait3A_41 = tpu.memref_slice %arg3[%mul3A_2] : memref<65536xi32, #tpu.memory_space<hbm>> -> memref<2048xi32, #tpu.memory_space<hbm>>
      %dma_wait3A_42 = tpu.memref_slice %arg3[%mul3A_2] : memref<65536xi32, #tpu.memory_space<hbm>> -> memref<2048xi32, #tpu.memory_space<hbm>>
      tpu.wait_dma2 semaphore(%run_scoped3A : memref<!tpu.dma_semaphore, #tpu.memory_space<semaphore_mem>>) src(%dma_wait3A_42 : memref<2048xi32, #tpu.memory_space<hbm>>) dst(%arg5 : memref<2048xi32, #tpu.memory_space<vmem>>)
      tpu.yield
    }) : () -> ()
    %dma_start3A = arith.constant 0 : i32
    %dma_start3A_3 = tpu.memref_slice %arg5[%dma_start3A] : memref<2048xi32, #tpu.memory_space<vmem>> -> memref<1024xi32, #tpu.memory_space<vmem>>
    %dma_start3A_4 = arith.constant 0 : i32
    %dma_start3A_5 = arith.constant 0 : i32
    %dma_start3A_6 = tpu.memref_slice %arg2[%dma_start3A_4, %dma_start3A_5] : memref<512x32xf32, #tpu.memory_space<hbm>> -> memref<512x32xf32, #tpu.memory_space<hbm>>
    tpu.enqueue_indirect_dma source(%dma_start3A_6 : memref<512x32xf32, #tpu.memory_space<hbm>>) target(%arg6 : memref<1024x32xf32, #tpu.memory_space<vmem>>) offsets(%dma_start3A_3 : memref<1024xi32, #tpu.memory_space<vmem>>) semaphore(%arg8 : memref<!tpu.dma_semaphore, #tpu.memory_space<semaphore_mem>>)
    %dma_start3A_7 = arith.constant 1024 : i32
    %dma_start3A_8 = tpu.memref_slice %arg5[%dma_start3A_7] : memref<2048xi32, #tpu.memory_space<vmem>> -> memref<1024xi32, #tpu.memory_space<vmem>>
    %dma_start3A_9 = arith.constant 0 : i32
    %dma_start3A_10 = arith.constant 0 : i32
    %dma_start3A_11 = tpu.memref_slice %arg2[%dma_start3A_9, %dma_start3A_10] : memref<512x32xf32, #tpu.memory_space<hbm>> -> memref<512x32xf32, #tpu.memory_space<hbm>>
    tpu.enqueue_indirect_dma source(%dma_start3A_11 : memref<512x32xf32, #tpu.memory_space<hbm>>) target(%arg7 : memref<1024x32xf32, #tpu.memory_space<vmem>>) offsets(%dma_start3A_8 : memref<1024xi32, #tpu.memory_space<vmem>>) semaphore(%arg9 : memref<!tpu.dma_semaphore, #tpu.memory_space<semaphore_mem>>)
    %dma_wait3A = arith.constant 0 : i32
    %dma_wait3A_12 = tpu.memref_slice %arg5[%dma_wait3A] : memref<2048xi32, #tpu.memory_space<vmem>> -> memref<1024xi32, #tpu.memory_space<vmem>>
    %dma_wait3A_13 = arith.constant 0 : i32
    %dma_wait3A_14 = arith.constant 0 : i32
    %dma_wait3A_15 = tpu.memref_slice %arg2[%dma_wait3A_13, %dma_wait3A_14] : memref<512x32xf32, #tpu.memory_space<hbm>> -> memref<512x32xf32, #tpu.memory_space<hbm>>
    tpu.wait_indirect_dma semaphore(%arg8 : memref<!tpu.dma_semaphore, #tpu.memory_space<semaphore_mem>>) src(%dma_wait3A_15 : memref<512x32xf32, #tpu.memory_space<hbm>>) dst(%arg6 : memref<1024x32xf32, #tpu.memory_space<vmem>>)
    %dma_start3A_16 = arith.constant 0 : i32
    %dma_start3A_17 = tpu.memref_slice %arg4[%mul3A_2, %dma_start3A_16] : memref<65536x32xf32, #tpu.memory_space<hbm>> -> memref<1024x32xf32, #tpu.memory_space<hbm>>
    %dma_start3A_18 = arith.constant 0 : i32
    %dma_start3A_19 = tpu.memref_slice %arg4[%mul3A_2, %dma_start3A_18] : memref<65536x32xf32, #tpu.memory_space<hbm>> -> memref<1024x32xf32, #tpu.memory_space<hbm>>
    tpu.enqueue_dma source(%arg6 : memref<1024x32xf32, #tpu.memory_space<vmem>>) target(%dma_start3A_19 : memref<1024x32xf32, #tpu.memory_space<hbm>>) target_semaphore(%arg10 : memref<!tpu.dma_semaphore, #tpu.memory_space<semaphore_mem>>)
    %dma_wait3A_20 = arith.constant 1024 : i32
    %dma_wait3A_21 = tpu.memref_slice %arg5[%dma_wait3A_20] : memref<2048xi32, #tpu.memory_space<vmem>> -> memref<1024xi32, #tpu.memory_space<vmem>>
    %dma_wait3A_22 = arith.constant 0 : i32
    %dma_wait3A_23 = arith.constant 0 : i32
    %dma_wait3A_24 = tpu.memref_slice %arg2[%dma_wait3A_22, %dma_wait3A_23] : memref<512x32xf32, #tpu.memory_space<hbm>> -> memref<512x32xf32, #tpu.memory_space<hbm>>
    tpu.wait_indirect_dma semaphore(%arg9 : memref<!tpu.dma_semaphore, #tpu.memory_space<semaphore_mem>>) src(%dma_wait3A_24 : memref<512x32xf32, #tpu.memory_space<hbm>>) dst(%arg7 : memref<1024x32xf32, #tpu.memory_space<vmem>>)
    %add3A_25 = arith.constant 1024 : i32
    %add3A_26 = arith.addi %mul3A_2, %add3A_25 : i32
    %dma_start3A_27 = arith.constant 0 : i32
    %dma_start3A_28 = tpu.memref_slice %arg4[%add3A_26, %dma_start3A_27] : memref<65536x32xf32, #tpu.memory_space<hbm>> -> memref<1024x32xf32, #tpu.memory_space<hbm>>
    %dma_start3A_29 = arith.constant 0 : i32
    %dma_start3A_30 = tpu.memref_slice %arg4[%add3A_26, %dma_start3A_29] : memref<65536x32xf32, #tpu.memory_space<hbm>> -> memref<1024x32xf32, #tpu.memory_space<hbm>>
    tpu.enqueue_dma source(%arg7 : memref<1024x32xf32, #tpu.memory_space<vmem>>) target(%dma_start3A_30 : memref<1024x32xf32, #tpu.memory_space<hbm>>) target_semaphore(%arg11 : memref<!tpu.dma_semaphore, #tpu.memory_space<semaphore_mem>>)
    %dma_wait3A_31 = arith.constant 0 : i32
    %dma_wait3A_32 = tpu.memref_slice %arg4[%mul3A_2, %dma_wait3A_31] : memref<65536x32xf32, #tpu.memory_space<hbm>> -> memref<1024x32xf32, #tpu.memory_space<hbm>>
    %dma_wait3A_33 = arith.constant 0 : i32
    %dma_wait3A_34 = tpu.memref_slice %arg4[%mul3A_2, %dma_wait3A_33] : memref<65536x32xf32, #tpu.memory_space<hbm>> -> memref<1024x32xf32, #tpu.memory_space<hbm>>
    tpu.wait_dma2 semaphore(%arg10 : memref<!tpu.dma_semaphore, #tpu.memory_space<semaphore_mem>>) src(%arg6 : memref<1024x32xf32, #tpu.memory_space<vmem>>) dst(%dma_wait3A_34 : memref<1024x32xf32, #tpu.memory_space<hbm>>)
    %dma_wait3A_35 = arith.constant 0 : i32
    %dma_wait3A_36 = tpu.memref_slice %arg4[%add3A_26, %dma_wait3A_35] : memref<65536x32xf32, #tpu.memory_space<hbm>> -> memref<1024x32xf32, #tpu.memory_space<hbm>>
    %dma_wait3A_37 = arith.constant 0 : i32
    %dma_wait3A_38 = tpu.memref_slice %arg4[%add3A_26, %dma_wait3A_37] : memref<65536x32xf32, #tpu.memory_space<hbm>> -> memref<1024x32xf32, #tpu.memory_space<hbm>>
    tpu.wait_dma2 semaphore(%arg11 : memref<!tpu.dma_semaphore, #tpu.memory_space<semaphore_mem>>) src(%arg7 : memref<1024x32xf32, #tpu.memory_space<vmem>>) dst(%dma_wait3A_38 : memref<1024x32xf32, #tpu.memory_space<hbm>>)
    return
  }
}

module attributes {stable_mosaic.version = 14 : i64} {
  func.func @_vq_argmin_block(%arg0: i32, %arg1: memref<16x32x1024xf32, #tpu.memory_space<vmem>>, %arg2: memref<512x32xf32, #tpu.memory_space<vmem>>, %arg3: memref<16x1x1024xi32, #tpu.memory_space<vmem>>, %arg4: memref<1x1xf32, #tpu.memory_space<smem>>) attributes {dimension_semantics = [#tpu.dimension_semantics<arbitrary>], iteration_bounds = array<i64: 4>, scalar_prefetch = 0 : i64, scratch_operands = 0 : i64, tpu.core_type = #tpu.core_type<tc>, window_params = [{transform_indices = @transform_0, window_bounds = array<i64: 16, 32, 1024>}, {pipeline_mode = #tpu.pipeline_mode<synchronous>, transform_indices = @transform_1, window_bounds = array<i64: 512, 32>}, {transform_indices = @transform_2, window_bounds = array<i64: 16, 1, 1024>}, {transform_indices = @transform_3, window_bounds = array<i64: 1, 1>}]} {
    %get3A = arith.constant 0 : index
    %get3A_0 = arith.constant 0 : index
    %get3A_1 = vector.load %arg2[%get3A, %get3A_0] : memref<512x32xf32, #tpu.memory_space<vmem>>, vector<512x32xf32>
    %mul3A = arith.mulf %get3A_1, %get3A_1 : vector<512x32xf32>
    %reduce_sum3A = arith.constant dense<0.000000e+00> : vector<512xf32>
    %reduce_sum3A_2 = vector.multi_reduction <add>, %mul3A, %reduce_sum3A [1] : vector<512x32xf32> to vector<512xf32>
    %broadcast_in_dim3A = vector.shape_cast %reduce_sum3A_2 : vector<512xf32> to vector<512x1xf32>
    %eq3A = arith.constant 0 : i32
    %eq3A_3 = arith.cmpi eq, %arg0, %eq3A : i32
    %convert_element_type3A = arith.extui %eq3A_3 : i1 to i32
    %cond3A = arith.constant 0 : i32
    %cond3A_4 = arith.cmpi ne, %convert_element_type3A, %cond3A : i32
    scf.if %cond3A_4 {
      %swap3A_677 = arith.constant 0.000000e+00 : f32
      %swap3A_678 = arith.constant 0 : index
      %swap3A_679 = arith.constant 0 : index
      %swap3A_680 = memref.load %arg4[%swap3A_678, %swap3A_679] : memref<1x1xf32, #tpu.memory_space<smem>>
      memref.store %swap3A_677, %arg4[%swap3A_678, %swap3A_679] : memref<1x1xf32, #tpu.memory_space<smem>>
    } else {
    }
    %get3A_5 = arith.constant 0 : index
    %get3A_6 = arith.constant 0 : index
    %get3A_7 = arith.constant 0 : index
    %get3A_8 = vector.load %arg1[%get3A_5, %get3A_6, %get3A_7] : memref<16x32x1024xf32, #tpu.memory_space<vmem>>, vector<1x32x1024xf32>
    %get3A_9 = vector.shape_cast %get3A_8 : vector<1x32x1024xf32> to vector<32x1024xf32>
    %mul3A_10 = arith.mulf %get3A_9, %get3A_9 : vector<32x1024xf32>
    %reduce_sum3A_11 = arith.constant dense<0.000000e+00> : vector<1024xf32>
    %reduce_sum3A_12 = vector.multi_reduction <add>, %mul3A_10, %reduce_sum3A_11 [0] : vector<32x1024xf32> to vector<1024xf32>
    %broadcast_in_dim3A_13 = vector.shape_cast %reduce_sum3A_12 : vector<1024xf32> to vector<1x1024xf32>
    %dot_general3A = arith.constant dense<0.000000e+00> : vector<512x1024xf32>
    %dot_general3A_14 = tpu.matmul %get3A_1, %get3A_9, %dot_general3A {dimension_numbers = #tpu.dot_dimension_numbers<[1], [0], [0], [1], [0, 0, 1, 1], [], []>, transpose_lhs_hint = false} : vector<512x32xf32>, vector<32x1024xf32>, vector<512x1024xf32> -> vector<512x1024xf32>
    %add3A = vector.broadcast %broadcast_in_dim3A_13 : vector<1x1024xf32> to vector<512x1024xf32>
    %add3A_15 = vector.broadcast %broadcast_in_dim3A : vector<512x1xf32> to vector<512x1024xf32>
    %add3A_16 = arith.addf %add3A, %add3A_15 : vector<512x1024xf32>
    %mul3A_17 = arith.constant 2.000000e+00 : f32
    %mul3A_18 = vector.broadcast %mul3A_17 : f32 to vector<512x1024xf32>
    %mul3A_19 = arith.mulf %mul3A_18, %dot_general3A_14 : vector<512x1024xf32>
    %sub3A = arith.subf %add3A_16, %mul3A_19 : vector<512x1024xf32>
    %reduce_min3A = arith.constant dense<0x7F800000> : vector<1024xf32>
    %reduce_min3A_20 = vector.multi_reduction <minimumf>, %sub3A, %reduce_min3A [0] : vector<512x1024xf32> to vector<1024xf32>
    %broadcast_in_dim3A_21 = vector.shape_cast %reduce_min3A_20 : vector<1024xf32> to vector<1x1024xf32>
    %iota3A = tpu.iota {dimensions = array<i32: 0>} : vector<512x1024xi32>
    %eq3A_22 = vector.broadcast %broadcast_in_dim3A_21 : vector<1x1024xf32> to vector<512x1024xf32>
    %eq3A_23 = arith.cmpf oeq, %sub3A, %eq3A_22 : vector<512x1024xf32>
    %jit3A = arith.constant 512 : i32
    %broadcast_in_dim3A_24 = vector.broadcast %jit3A : i32 to vector<512x1024xi32>
    %select_n3A = arith.select %eq3A_23, %iota3A, %broadcast_in_dim3A_24 : vector<512x1024xi1>, vector<512x1024xi32>
    %reduce_min3A_25 = arith.constant dense<2147483647> : vector<1024xi32>
    %reduce_min3A_26 = vector.multi_reduction <minsi>, %select_n3A, %reduce_min3A_25 [0] : vector<512x1024xi32> to vector<1024xi32>
    %broadcast_in_dim3A_27 = vector.shape_cast %reduce_min3A_26 : vector<1024xi32> to vector<1x1024xi32>
    %swap3A = arith.constant 0 : index
    %swap3A_28 = arith.constant 0 : index
    %swap3A_29 = arith.constant 0 : index
    %swap3A_30 = vector.load %arg3[%swap3A, %swap3A_28, %swap3A_29] : memref<16x1x1024xi32, #tpu.memory_space<vmem>>, vector<1x1x1024xi32>
    %swap3A_31 = vector.shape_cast %swap3A_30 : vector<1x1x1024xi32> to vector<1x1024xi32>
    %swap3A_32 = vector.shape_cast %broadcast_in_dim3A_27 : vector<1x1024xi32> to vector<1x1x1024xi32>
    tpu.vector_store %arg3[%swap3A, %swap3A_28, %swap3A_29], %swap3A_32 {strides = array<i32>} : memref<16x1x1024xi32, #tpu.memory_space<vmem>>, vector<1x1x1024xi32>,
    %reduce_sum3A_33 = vector.shape_cast %broadcast_in_dim3A_21 : vector<1x1024xf32> to vector<1x1x1024xf32>
    %reduce_sum3A_34 = arith.constant dense<0.000000e+00> : vector<1xf32>
    %reduce_sum3A_35 = vector.multi_reduction <add>, %reduce_sum3A_33, %reduce_sum3A_34 [1, 2] : vector<1x1x1024xf32> to vector<1xf32>
    %reduce_sum3A_36 = vector.shape_cast %reduce_sum3A_35 : vector<1xf32> to vector<1x1x1xf32>
    %reduce_sum3A_37 = vector.extract %reduce_sum3A_36[0, 0, 0] : f32 from vector<1x1x1xf32>
    %add3A_38 = arith.constant 0.000000e+00 : f32
    %add3A_39 = arith.addf %add3A_38, %reduce_sum3A_37 : f32
    %get3A_40 = arith.constant 1 : index
    %get3A_41 = arith.constant 0 : index
    %get3A_42 = arith.constant 0 : index
    %get3A_43 = vector.load %arg1[%get3A_40, %get3A_41, %get3A_42] : memref<16x32x1024xf32, #tpu.memory_space<vmem>>, vector<1x32x1024xf32>
    %get3A_44 = vector.shape_cast %get3A_43 : vector<1x32x1024xf32> to vector<32x1024xf32>
    %mul3A_45 = arith.mulf %get3A_44, %get3A_44 : vector<32x1024xf32>
    %reduce_sum3A_46 = arith.constant dense<0.000000e+00> : vector<1024xf32>
    %reduce_sum3A_47 = vector.multi_reduction <add>, %mul3A_45, %reduce_sum3A_46 [0] : vector<32x1024xf32> to vector<1024xf32>
    %broadcast_in_dim3A_48 = vector.shape_cast %reduce_sum3A_47 : vector<1024xf32> to vector<1x1024xf32>
    %dot_general3A_49 = arith.constant dense<0.000000e+00> : vector<512x1024xf32>
    %dot_general3A_50 = tpu.matmul %get3A_1, %get3A_44, %dot_general3A_49 {dimension_numbers = #tpu.dot_dimension_numbers<[1], [0], [0], [1], [0, 0, 1, 1], [], []>, transpose_lhs_hint = false} : vector<512x32xf32>, vector<32x1024xf32>, vector<512x1024xf32> -> vector<512x1024xf32>
    %add3A_51 = vector.broadcast %broadcast_in_dim3A_48 : vector<1x1024xf32> to vector<512x1024xf32>
    %add3A_52 = vector.broadcast %broadcast_in_dim3A : vector<512x1xf32> to vector<512x1024xf32>
    %add3A_53 = arith.addf %add3A_51, %add3A_52 : vector<512x1024xf32>
    %mul3A_54 = arith.constant 2.000000e+00 : f32
    %mul3A_55 = vector.broadcast %mul3A_54 : f32 to vector<512x1024xf32>
    %mul3A_56 = arith.mulf %mul3A_55, %dot_general3A_50 : vector<512x1024xf32>
    %sub3A_57 = arith.subf %add3A_53, %mul3A_56 : vector<512x1024xf32>
    %reduce_min3A_58 = arith.constant dense<0x7F800000> : vector<1024xf32>
    %reduce_min3A_59 = vector.multi_reduction <minimumf>, %sub3A_57, %reduce_min3A_58 [0] : vector<512x1024xf32> to vector<1024xf32>
    %broadcast_in_dim3A_60 = vector.shape_cast %reduce_min3A_59 : vector<1024xf32> to vector<1x1024xf32>
    %iota3A_61 = tpu.iota {dimensions = array<i32: 0>} : vector<512x1024xi32>
    %eq3A_62 = vector.broadcast %broadcast_in_dim3A_60 : vector<1x1024xf32> to vector<512x1024xf32>
    %eq3A_63 = arith.cmpf oeq, %sub3A_57, %eq3A_62 : vector<512x1024xf32>
    %jit3A_64 = arith.constant 512 : i32
    %broadcast_in_dim3A_65 = vector.broadcast %jit3A_64 : i32 to vector<512x1024xi32>
    %select_n3A_66 = arith.select %eq3A_63, %iota3A_61, %broadcast_in_dim3A_65 : vector<512x1024xi1>, vector<512x1024xi32>
    %reduce_min3A_67 = arith.constant dense<2147483647> : vector<1024xi32>
    %reduce_min3A_68 = vector.multi_reduction <minsi>, %select_n3A_66, %reduce_min3A_67 [0] : vector<512x1024xi32> to vector<1024xi32>
    %broadcast_in_dim3A_69 = vector.shape_cast %reduce_min3A_68 : vector<1024xi32> to vector<1x1024xi32>
    %swap3A_70 = arith.constant 1 : index
    %swap3A_71 = arith.constant 0 : index
    %swap3A_72 = arith.constant 0 : index
    %swap3A_73 = vector.load %arg3[%swap3A_70, %swap3A_71, %swap3A_72] : memref<16x1x1024xi32, #tpu.memory_space<vmem>>, vector<1x1x1024xi32>
    %swap3A_74 = vector.shape_cast %swap3A_73 : vector<1x1x1024xi32> to vector<1x1024xi32>
    %swap3A_75 = vector.shape_cast %broadcast_in_dim3A_69 : vector<1x1024xi32> to vector<1x1x1024xi32>
    tpu.vector_store %arg3[%swap3A_70, %swap3A_71, %swap3A_72], %swap3A_75 {strides = array<i32>} : memref<16x1x1024xi32, #tpu.memory_space<vmem>>, vector<1x1x1024xi32>,
    %reduce_sum3A_76 = vector.shape_cast %broadcast_in_dim3A_60 : vector<1x1024xf32> to vector<1x1x1024xf32>
    %reduce_sum3A_77 = arith.constant dense<0.000000e+00> : vector<1xf32>
    %reduce_sum3A_78 = vector.multi_reduction <add>, %reduce_sum3A_76, %reduce_sum3A_77 [1, 2] : vector<1x1x1024xf32> to vector<1xf32>
    %reduce_sum3A_79 = vector.shape_cast %reduce_sum3A_78 : vector<1xf32> to vector<1x1x1xf32>
    %reduce_sum3A_80 = vector.extract %reduce_sum3A_79[0, 0, 0] : f32 from vector<1x1x1xf32>
    %add3A_81 = arith.addf %add3A_39, %reduce_sum3A_80 : f32
    %get3A_82 = arith.constant 2 : index
    %get3A_83 = arith.constant 0 : index
    %get3A_84 = arith.constant 0 : index
    %get3A_85 = vector.load %arg1[%get3A_82, %get3A_83, %get3A_84] : memref<16x32x1024xf32, #tpu.memory_space<vmem>>, vector<1x32x1024xf32>
    %get3A_86 = vector.shape_cast %get3A_85 : vector<1x32x1024xf32> to vector<32x1024xf32>
    %mul3A_87 = arith.mulf %get3A_86, %get3A_86 : vector<32x1024xf32>
    %reduce_sum3A_88 = arith.constant dense<0.000000e+00> : vector<1024xf32>
    %reduce_sum3A_89 = vector.multi_reduction <add>, %mul3A_87, %reduce_sum3A_88 [0] : vector<32x1024xf32> to vector<1024xf32>
    %broadcast_in_dim3A_90 = vector.shape_cast %reduce_sum3A_89 : vector<1024xf32> to vector<1x1024xf32>
    %dot_general3A_91 = arith.constant dense<0.000000e+00> : vector<512x1024xf32>
    %dot_general3A_92 = tpu.matmul %get3A_1, %get3A_86, %dot_general3A_91 {dimension_numbers = #tpu.dot_dimension_numbers<[1], [0], [0], [1], [0, 0, 1, 1], [], []>, transpose_lhs_hint = false} : vector<512x32xf32>, vector<32x1024xf32>, vector<512x1024xf32> -> vector<512x1024xf32>
    %add3A_93 = vector.broadcast %broadcast_in_dim3A_90 : vector<1x1024xf32> to vector<512x1024xf32>
    %add3A_94 = vector.broadcast %broadcast_in_dim3A : vector<512x1xf32> to vector<512x1024xf32>
    %add3A_95 = arith.addf %add3A_93, %add3A_94 : vector<512x1024xf32>
    %mul3A_96 = arith.constant 2.000000e+00 : f32
    %mul3A_97 = vector.broadcast %mul3A_96 : f32 to vector<512x1024xf32>
    %mul3A_98 = arith.mulf %mul3A_97, %dot_general3A_92 : vector<512x1024xf32>
    %sub3A_99 = arith.subf %add3A_95, %mul3A_98 : vector<512x1024xf32>
    %reduce_min3A_100 = arith.constant dense<0x7F800000> : vector<1024xf32>
    %reduce_min3A_101 = vector.multi_reduction <minimumf>, %sub3A_99, %reduce_min3A_100 [0] : vector<512x1024xf32> to vector<1024xf32>
    %broadcast_in_dim3A_102 = vector.shape_cast %reduce_min3A_101 : vector<1024xf32> to vector<1x1024xf32>
    %iota3A_103 = tpu.iota {dimensions = array<i32: 0>} : vector<512x1024xi32>
    %eq3A_104 = vector.broadcast %broadcast_in_dim3A_102 : vector<1x1024xf32> to vector<512x1024xf32>
    %eq3A_105 = arith.cmpf oeq, %sub3A_99, %eq3A_104 : vector<512x1024xf32>
    %jit3A_106 = arith.constant 512 : i32
    %broadcast_in_dim3A_107 = vector.broadcast %jit3A_106 : i32 to vector<512x1024xi32>
    %select_n3A_108 = arith.select %eq3A_105, %iota3A_103, %broadcast_in_dim3A_107 : vector<512x1024xi1>, vector<512x1024xi32>
    %reduce_min3A_109 = arith.constant dense<2147483647> : vector<1024xi32>
    %reduce_min3A_110 = vector.multi_reduction <minsi>, %select_n3A_108, %reduce_min3A_109 [0] : vector<512x1024xi32> to vector<1024xi32>
    %broadcast_in_dim3A_111 = vector.shape_cast %reduce_min3A_110 : vector<1024xi32> to vector<1x1024xi32>
    %swap3A_112 = arith.constant 2 : index
    %swap3A_113 = arith.constant 0 : index
    %swap3A_114 = arith.constant 0 : index
    %swap3A_115 = vector.load %arg3[%swap3A_112, %swap3A_113, %swap3A_114] : memref<16x1x1024xi32, #tpu.memory_space<vmem>>, vector<1x1x1024xi32>
    %swap3A_116 = vector.shape_cast %swap3A_115 : vector<1x1x1024xi32> to vector<1x1024xi32>
    %swap3A_117 = vector.shape_cast %broadcast_in_dim3A_111 : vector<1x1024xi32> to vector<1x1x1024xi32>
    tpu.vector_store %arg3[%swap3A_112, %swap3A_113, %swap3A_114], %swap3A_117 {strides = array<i32>} : memref<16x1x1024xi32, #tpu.memory_space<vmem>>, vector<1x1x1024xi32>,
    %reduce_sum3A_118 = vector.shape_cast %broadcast_in_dim3A_102 : vector<1x1024xf32> to vector<1x1x1024xf32>
    %reduce_sum3A_119 = arith.constant dense<0.000000e+00> : vector<1xf32>
    %reduce_sum3A_120 = vector.multi_reduction <add>, %reduce_sum3A_118, %reduce_sum3A_119 [1, 2] : vector<1x1x1024xf32> to vector<1xf32>
    %reduce_sum3A_121 = vector.shape_cast %reduce_sum3A_120 : vector<1xf32> to vector<1x1x1xf32>
    %reduce_sum3A_122 = vector.extract %reduce_sum3A_121[0, 0, 0] : f32 from vector<1x1x1xf32>
    %add3A_123 = arith.addf %add3A_81, %reduce_sum3A_122 : f32
    %get3A_124 = arith.constant 3 : index
    %get3A_125 = arith.constant 0 : index
    %get3A_126 = arith.constant 0 : index
    %get3A_127 = vector.load %arg1[%get3A_124, %get3A_125, %get3A_126] : memref<16x32x1024xf32, #tpu.memory_space<vmem>>, vector<1x32x1024xf32>
    %get3A_128 = vector.shape_cast %get3A_127 : vector<1x32x1024xf32> to vector<32x1024xf32>
    %mul3A_129 = arith.mulf %get3A_128, %get3A_128 : vector<32x1024xf32>
    %reduce_sum3A_130 = arith.constant dense<0.000000e+00> : vector<1024xf32>
    %reduce_sum3A_131 = vector.multi_reduction <add>, %mul3A_129, %reduce_sum3A_130 [0] : vector<32x1024xf32> to vector<1024xf32>
    %broadcast_in_dim3A_132 = vector.shape_cast %reduce_sum3A_131 : vector<1024xf32> to vector<1x1024xf32>
    %dot_general3A_133 = arith.constant dense<0.000000e+00> : vector<512x1024xf32>
    %dot_general3A_134 = tpu.matmul %get3A_1, %get3A_128, %dot_general3A_133 {dimension_numbers = #tpu.dot_dimension_numbers<[1], [0], [0], [1], [0, 0, 1, 1], [], []>, transpose_lhs_hint = false} : vector<512x32xf32>, vector<32x1024xf32>, vector<512x1024xf32> -> vector<512x1024xf32>
    %add3A_135 = vector.broadcast %broadcast_in_dim3A_132 : vector<1x1024xf32> to vector<512x1024xf32>
    %add3A_136 = vector.broadcast %broadcast_in_dim3A : vector<512x1xf32> to vector<512x1024xf32>
    %add3A_137 = arith.addf %add3A_135, %add3A_136 : vector<512x1024xf32>
    %mul3A_138 = arith.constant 2.000000e+00 : f32
    %mul3A_139 = vector.broadcast %mul3A_138 : f32 to vector<512x1024xf32>
    %mul3A_140 = arith.mulf %mul3A_139, %dot_general3A_134 : vector<512x1024xf32>
    %sub3A_141 = arith.subf %add3A_137, %mul3A_140 : vector<512x1024xf32>
    %reduce_min3A_142 = arith.constant dense<0x7F800000> : vector<1024xf32>
    %reduce_min3A_143 = vector.multi_reduction <minimumf>, %sub3A_141, %reduce_min3A_142 [0] : vector<512x1024xf32> to vector<1024xf32>
    %broadcast_in_dim3A_144 = vector.shape_cast %reduce_min3A_143 : vector<1024xf32> to vector<1x1024xf32>
    %iota3A_145 = tpu.iota {dimensions = array<i32: 0>} : vector<512x1024xi32>
    %eq3A_146 = vector.broadcast %broadcast_in_dim3A_144 : vector<1x1024xf32> to vector<512x1024xf32>
    %eq3A_147 = arith.cmpf oeq, %sub3A_141, %eq3A_146 : vector<512x1024xf32>
    %jit3A_148 = arith.constant 512 : i32
    %broadcast_in_dim3A_149 = vector.broadcast %jit3A_148 : i32 to vector<512x1024xi32>
    %select_n3A_150 = arith.select %eq3A_147, %iota3A_145, %broadcast_in_dim3A_149 : vector<512x1024xi1>, vector<512x1024xi32>
    %reduce_min3A_151 = arith.constant dense<2147483647> : vector<1024xi32>
    %reduce_min3A_152 = vector.multi_reduction <minsi>, %select_n3A_150, %reduce_min3A_151 [0] : vector<512x1024xi32> to vector<1024xi32>
    %broadcast_in_dim3A_153 = vector.shape_cast %reduce_min3A_152 : vector<1024xi32> to vector<1x1024xi32>
    %swap3A_154 = arith.constant 3 : index
    %swap3A_155 = arith.constant 0 : index
    %swap3A_156 = arith.constant 0 : index
    %swap3A_157 = vector.load %arg3[%swap3A_154, %swap3A_155, %swap3A_156] : memref<16x1x1024xi32, #tpu.memory_space<vmem>>, vector<1x1x1024xi32>
    %swap3A_158 = vector.shape_cast %swap3A_157 : vector<1x1x1024xi32> to vector<1x1024xi32>
    %swap3A_159 = vector.shape_cast %broadcast_in_dim3A_153 : vector<1x1024xi32> to vector<1x1x1024xi32>
    tpu.vector_store %arg3[%swap3A_154, %swap3A_155, %swap3A_156], %swap3A_159 {strides = array<i32>} : memref<16x1x1024xi32, #tpu.memory_space<vmem>>, vector<1x1x1024xi32>,
    %reduce_sum3A_160 = vector.shape_cast %broadcast_in_dim3A_144 : vector<1x1024xf32> to vector<1x1x1024xf32>
    %reduce_sum3A_161 = arith.constant dense<0.000000e+00> : vector<1xf32>
    %reduce_sum3A_162 = vector.multi_reduction <add>, %reduce_sum3A_160, %reduce_sum3A_161 [1, 2] : vector<1x1x1024xf32> to vector<1xf32>
    %reduce_sum3A_163 = vector.shape_cast %reduce_sum3A_162 : vector<1xf32> to vector<1x1x1xf32>
    %reduce_sum3A_164 = vector.extract %reduce_sum3A_163[0, 0, 0] : f32 from vector<1x1x1xf32>
    %add3A_165 = arith.addf %add3A_123, %reduce_sum3A_164 : f32
    %get3A_166 = arith.constant 4 : index
    %get3A_167 = arith.constant 0 : index
    %get3A_168 = arith.constant 0 : index
    %get3A_169 = vector.load %arg1[%get3A_166, %get3A_167, %get3A_168] : memref<16x32x1024xf32, #tpu.memory_space<vmem>>, vector<1x32x1024xf32>
    %get3A_170 = vector.shape_cast %get3A_169 : vector<1x32x1024xf32> to vector<32x1024xf32>
    %mul3A_171 = arith.mulf %get3A_170, %get3A_170 : vector<32x1024xf32>
    %reduce_sum3A_172 = arith.constant dense<0.000000e+00> : vector<1024xf32>
    %reduce_sum3A_173 = vector.multi_reduction <add>, %mul3A_171, %reduce_sum3A_172 [0] : vector<32x1024xf32> to vector<1024xf32>
    %broadcast_in_dim3A_174 = vector.shape_cast %reduce_sum3A_173 : vector<1024xf32> to vector<1x1024xf32>
    %dot_general3A_175 = arith.constant dense<0.000000e+00> : vector<512x1024xf32>
    %dot_general3A_176 = tpu.matmul %get3A_1, %get3A_170, %dot_general3A_175 {dimension_numbers = #tpu.dot_dimension_numbers<[1], [0], [0], [1], [0, 0, 1, 1], [], []>, transpose_lhs_hint = false} : vector<512x32xf32>, vector<32x1024xf32>, vector<512x1024xf32> -> vector<512x1024xf32>
    %add3A_177 = vector.broadcast %broadcast_in_dim3A_174 : vector<1x1024xf32> to vector<512x1024xf32>
    %add3A_178 = vector.broadcast %broadcast_in_dim3A : vector<512x1xf32> to vector<512x1024xf32>
    %add3A_179 = arith.addf %add3A_177, %add3A_178 : vector<512x1024xf32>
    %mul3A_180 = arith.constant 2.000000e+00 : f32
    %mul3A_181 = vector.broadcast %mul3A_180 : f32 to vector<512x1024xf32>
    %mul3A_182 = arith.mulf %mul3A_181, %dot_general3A_176 : vector<512x1024xf32>
    %sub3A_183 = arith.subf %add3A_179, %mul3A_182 : vector<512x1024xf32>
    %reduce_min3A_184 = arith.constant dense<0x7F800000> : vector<1024xf32>
    %reduce_min3A_185 = vector.multi_reduction <minimumf>, %sub3A_183, %reduce_min3A_184 [0] : vector<512x1024xf32> to vector<1024xf32>
    %broadcast_in_dim3A_186 = vector.shape_cast %reduce_min3A_185 : vector<1024xf32> to vector<1x1024xf32>
    %iota3A_187 = tpu.iota {dimensions = array<i32: 0>} : vector<512x1024xi32>
    %eq3A_188 = vector.broadcast %broadcast_in_dim3A_186 : vector<1x1024xf32> to vector<512x1024xf32>
    %eq3A_189 = arith.cmpf oeq, %sub3A_183, %eq3A_188 : vector<512x1024xf32>
    %jit3A_190 = arith.constant 512 : i32
    %broadcast_in_dim3A_191 = vector.broadcast %jit3A_190 : i32 to vector<512x1024xi32>
    %select_n3A_192 = arith.select %eq3A_189, %iota3A_187, %broadcast_in_dim3A_191 : vector<512x1024xi1>, vector<512x1024xi32>
    %reduce_min3A_193 = arith.constant dense<2147483647> : vector<1024xi32>
    %reduce_min3A_194 = vector.multi_reduction <minsi>, %select_n3A_192, %reduce_min3A_193 [0] : vector<512x1024xi32> to vector<1024xi32>
    %broadcast_in_dim3A_195 = vector.shape_cast %reduce_min3A_194 : vector<1024xi32> to vector<1x1024xi32>
    %swap3A_196 = arith.constant 4 : index
    %swap3A_197 = arith.constant 0 : index
    %swap3A_198 = arith.constant 0 : index
    %swap3A_199 = vector.load %arg3[%swap3A_196, %swap3A_197, %swap3A_198] : memref<16x1x1024xi32, #tpu.memory_space<vmem>>, vector<1x1x1024xi32>
    %swap3A_200 = vector.shape_cast %swap3A_199 : vector<1x1x1024xi32> to vector<1x1024xi32>
    %swap3A_201 = vector.shape_cast %broadcast_in_dim3A_195 : vector<1x1024xi32> to vector<1x1x1024xi32>
    tpu.vector_store %arg3[%swap3A_196, %swap3A_197, %swap3A_198], %swap3A_201 {strides = array<i32>} : memref<16x1x1024xi32, #tpu.memory_space<vmem>>, vector<1x1x1024xi32>,
    %reduce_sum3A_202 = vector.shape_cast %broadcast_in_dim3A_186 : vector<1x1024xf32> to vector<1x1x1024xf32>
    %reduce_sum3A_203 = arith.constant dense<0.000000e+00> : vector<1xf32>
    %reduce_sum3A_204 = vector.multi_reduction <add>, %reduce_sum3A_202, %reduce_sum3A_203 [1, 2] : vector<1x1x1024xf32> to vector<1xf32>
    %reduce_sum3A_205 = vector.shape_cast %reduce_sum3A_204 : vector<1xf32> to vector<1x1x1xf32>
    %reduce_sum3A_206 = vector.extract %reduce_sum3A_205[0, 0, 0] : f32 from vector<1x1x1xf32>
    %add3A_207 = arith.addf %add3A_165, %reduce_sum3A_206 : f32
    %get3A_208 = arith.constant 5 : index
    %get3A_209 = arith.constant 0 : index
    %get3A_210 = arith.constant 0 : index
    %get3A_211 = vector.load %arg1[%get3A_208, %get3A_209, %get3A_210] : memref<16x32x1024xf32, #tpu.memory_space<vmem>>, vector<1x32x1024xf32>
    %get3A_212 = vector.shape_cast %get3A_211 : vector<1x32x1024xf32> to vector<32x1024xf32>
    %mul3A_213 = arith.mulf %get3A_212, %get3A_212 : vector<32x1024xf32>
    %reduce_sum3A_214 = arith.constant dense<0.000000e+00> : vector<1024xf32>
    %reduce_sum3A_215 = vector.multi_reduction <add>, %mul3A_213, %reduce_sum3A_214 [0] : vector<32x1024xf32> to vector<1024xf32>
    %broadcast_in_dim3A_216 = vector.shape_cast %reduce_sum3A_215 : vector<1024xf32> to vector<1x1024xf32>
    %dot_general3A_217 = arith.constant dense<0.000000e+00> : vector<512x1024xf32>
    %dot_general3A_218 = tpu.matmul %get3A_1, %get3A_212, %dot_general3A_217 {dimension_numbers = #tpu.dot_dimension_numbers<[1], [0], [0], [1], [0, 0, 1, 1], [], []>, transpose_lhs_hint = false} : vector<512x32xf32>, vector<32x1024xf32>, vector<512x1024xf32> -> vector<512x1024xf32>
    %add3A_219 = vector.broadcast %broadcast_in_dim3A_216 : vector<1x1024xf32> to vector<512x1024xf32>
    %add3A_220 = vector.broadcast %broadcast_in_dim3A : vector<512x1xf32> to vector<512x1024xf32>
    %add3A_221 = arith.addf %add3A_219, %add3A_220 : vector<512x1024xf32>
    %mul3A_222 = arith.constant 2.000000e+00 : f32
    %mul3A_223 = vector.broadcast %mul3A_222 : f32 to vector<512x1024xf32>
    %mul3A_224 = arith.mulf %mul3A_223, %dot_general3A_218 : vector<512x1024xf32>
    %sub3A_225 = arith.subf %add3A_221, %mul3A_224 : vector<512x1024xf32>
    %reduce_min3A_226 = arith.constant dense<0x7F800000> : vector<1024xf32>
    %reduce_min3A_227 = vector.multi_reduction <minimumf>, %sub3A_225, %reduce_min3A_226 [0] : vector<512x1024xf32> to vector<1024xf32>
    %broadcast_in_dim3A_228 = vector.shape_cast %reduce_min3A_227 : vector<1024xf32> to vector<1x1024xf32>
    %iota3A_229 = tpu.iota {dimensions = array<i32: 0>} : vector<512x1024xi32>
    %eq3A_230 = vector.broadcast %broadcast_in_dim3A_228 : vector<1x1024xf32> to vector<512x1024xf32>
    %eq3A_231 = arith.cmpf oeq, %sub3A_225, %eq3A_230 : vector<512x1024xf32>
    %jit3A_232 = arith.constant 512 : i32
    %broadcast_in_dim3A_233 = vector.broadcast %jit3A_232 : i32 to vector<512x1024xi32>
    %select_n3A_234 = arith.select %eq3A_231, %iota3A_229, %broadcast_in_dim3A_233 : vector<512x1024xi1>, vector<512x1024xi32>
    %reduce_min3A_235 = arith.constant dense<2147483647> : vector<1024xi32>
    %reduce_min3A_236 = vector.multi_reduction <minsi>, %select_n3A_234, %reduce_min3A_235 [0] : vector<512x1024xi32> to vector<1024xi32>
    %broadcast_in_dim3A_237 = vector.shape_cast %reduce_min3A_236 : vector<1024xi32> to vector<1x1024xi32>
    %swap3A_238 = arith.constant 5 : index
    %swap3A_239 = arith.constant 0 : index
    %swap3A_240 = arith.constant 0 : index
    %swap3A_241 = vector.load %arg3[%swap3A_238, %swap3A_239, %swap3A_240] : memref<16x1x1024xi32, #tpu.memory_space<vmem>>, vector<1x1x1024xi32>
    %swap3A_242 = vector.shape_cast %swap3A_241 : vector<1x1x1024xi32> to vector<1x1024xi32>
    %swap3A_243 = vector.shape_cast %broadcast_in_dim3A_237 : vector<1x1024xi32> to vector<1x1x1024xi32>
    tpu.vector_store %arg3[%swap3A_238, %swap3A_239, %swap3A_240], %swap3A_243 {strides = array<i32>} : memref<16x1x1024xi32, #tpu.memory_space<vmem>>, vector<1x1x1024xi32>,
    %reduce_sum3A_244 = vector.shape_cast %broadcast_in_dim3A_228 : vector<1x1024xf32> to vector<1x1x1024xf32>
    %reduce_sum3A_245 = arith.constant dense<0.000000e+00> : vector<1xf32>
    %reduce_sum3A_246 = vector.multi_reduction <add>, %reduce_sum3A_244, %reduce_sum3A_245 [1, 2] : vector<1x1x1024xf32> to vector<1xf32>
    %reduce_sum3A_247 = vector.shape_cast %reduce_sum3A_246 : vector<1xf32> to vector<1x1x1xf32>
    %reduce_sum3A_248 = vector.extract %reduce_sum3A_247[0, 0, 0] : f32 from vector<1x1x1xf32>
    %add3A_249 = arith.addf %add3A_207, %reduce_sum3A_248 : f32
    %get3A_250 = arith.constant 6 : index
    %get3A_251 = arith.constant 0 : index
    %get3A_252 = arith.constant 0 : index
    %get3A_253 = vector.load %arg1[%get3A_250, %get3A_251, %get3A_252] : memref<16x32x1024xf32, #tpu.memory_space<vmem>>, vector<1x32x1024xf32>
    %get3A_254 = vector.shape_cast %get3A_253 : vector<1x32x1024xf32> to vector<32x1024xf32>
    %mul3A_255 = arith.mulf %get3A_254, %get3A_254 : vector<32x1024xf32>
    %reduce_sum3A_256 = arith.constant dense<0.000000e+00> : vector<1024xf32>
    %reduce_sum3A_257 = vector.multi_reduction <add>, %mul3A_255, %reduce_sum3A_256 [0] : vector<32x1024xf32> to vector<1024xf32>
    %broadcast_in_dim3A_258 = vector.shape_cast %reduce_sum3A_257 : vector<1024xf32> to vector<1x1024xf32>
    %dot_general3A_259 = arith.constant dense<0.000000e+00> : vector<512x1024xf32>
    %dot_general3A_260 = tpu.matmul %get3A_1, %get3A_254, %dot_general3A_259 {dimension_numbers = #tpu.dot_dimension_numbers<[1], [0], [0], [1], [0, 0, 1, 1], [], []>, transpose_lhs_hint = false} : vector<512x32xf32>, vector<32x1024xf32>, vector<512x1024xf32> -> vector<512x1024xf32>
    %add3A_261 = vector.broadcast %broadcast_in_dim3A_258 : vector<1x1024xf32> to vector<512x1024xf32>
    %add3A_262 = vector.broadcast %broadcast_in_dim3A : vector<512x1xf32> to vector<512x1024xf32>
    %add3A_263 = arith.addf %add3A_261, %add3A_262 : vector<512x1024xf32>
    %mul3A_264 = arith.constant 2.000000e+00 : f32
    %mul3A_265 = vector.broadcast %mul3A_264 : f32 to vector<512x1024xf32>
    %mul3A_266 = arith.mulf %mul3A_265, %dot_general3A_260 : vector<512x1024xf32>
    %sub3A_267 = arith.subf %add3A_263, %mul3A_266 : vector<512x1024xf32>
    %reduce_min3A_268 = arith.constant dense<0x7F800000> : vector<1024xf32>
    %reduce_min3A_269 = vector.multi_reduction <minimumf>, %sub3A_267, %reduce_min3A_268 [0] : vector<512x1024xf32> to vector<1024xf32>
    %broadcast_in_dim3A_270 = vector.shape_cast %reduce_min3A_269 : vector<1024xf32> to vector<1x1024xf32>
    %iota3A_271 = tpu.iota {dimensions = array<i32: 0>} : vector<512x1024xi32>
    %eq3A_272 = vector.broadcast %broadcast_in_dim3A_270 : vector<1x1024xf32> to vector<512x1024xf32>
    %eq3A_273 = arith.cmpf oeq, %sub3A_267, %eq3A_272 : vector<512x1024xf32>
    %jit3A_274 = arith.constant 512 : i32
    %broadcast_in_dim3A_275 = vector.broadcast %jit3A_274 : i32 to vector<512x1024xi32>
    %select_n3A_276 = arith.select %eq3A_273, %iota3A_271, %broadcast_in_dim3A_275 : vector<512x1024xi1>, vector<512x1024xi32>
    %reduce_min3A_277 = arith.constant dense<2147483647> : vector<1024xi32>
    %reduce_min3A_278 = vector.multi_reduction <minsi>, %select_n3A_276, %reduce_min3A_277 [0] : vector<512x1024xi32> to vector<1024xi32>
    %broadcast_in_dim3A_279 = vector.shape_cast %reduce_min3A_278 : vector<1024xi32> to vector<1x1024xi32>
    %swap3A_280 = arith.constant 6 : index
    %swap3A_281 = arith.constant 0 : index
    %swap3A_282 = arith.constant 0 : index
    %swap3A_283 = vector.load %arg3[%swap3A_280, %swap3A_281, %swap3A_282] : memref<16x1x1024xi32, #tpu.memory_space<vmem>>, vector<1x1x1024xi32>
    %swap3A_284 = vector.shape_cast %swap3A_283 : vector<1x1x1024xi32> to vector<1x1024xi32>
    %swap3A_285 = vector.shape_cast %broadcast_in_dim3A_279 : vector<1x1024xi32> to vector<1x1x1024xi32>
    tpu.vector_store %arg3[%swap3A_280, %swap3A_281, %swap3A_282], %swap3A_285 {strides = array<i32>} : memref<16x1x1024xi32, #tpu.memory_space<vmem>>, vector<1x1x1024xi32>,
    %reduce_sum3A_286 = vector.shape_cast %broadcast_in_dim3A_270 : vector<1x1024xf32> to vector<1x1x1024xf32>
    %reduce_sum3A_287 = arith.constant dense<0.000000e+00> : vector<1xf32>
    %reduce_sum3A_288 = vector.multi_reduction <add>, %reduce_sum3A_286, %reduce_sum3A_287 [1, 2] : vector<1x1x1024xf32> to vector<1xf32>
    %reduce_sum3A_289 = vector.shape_cast %reduce_sum3A_288 : vector<1xf32> to vector<1x1x1xf32>
    %reduce_sum3A_290 = vector.extract %reduce_sum3A_289[0, 0, 0] : f32 from vector<1x1x1xf32>
    %add3A_291 = arith.addf %add3A_249, %reduce_sum3A_290 : f32
    %get3A_292 = arith.constant 7 : index
    %get3A_293 = arith.constant 0 : index
    %get3A_294 = arith.constant 0 : index
    %get3A_295 = vector.load %arg1[%get3A_292, %get3A_293, %get3A_294] : memref<16x32x1024xf32, #tpu.memory_space<vmem>>, vector<1x32x1024xf32>
    %get3A_296 = vector.shape_cast %get3A_295 : vector<1x32x1024xf32> to vector<32x1024xf32>
    %mul3A_297 = arith.mulf %get3A_296, %get3A_296 : vector<32x1024xf32>
    %reduce_sum3A_298 = arith.constant dense<0.000000e+00> : vector<1024xf32>
    %reduce_sum3A_299 = vector.multi_reduction <add>, %mul3A_297, %reduce_sum3A_298 [0] : vector<32x1024xf32> to vector<1024xf32>
    %broadcast_in_dim3A_300 = vector.shape_cast %reduce_sum3A_299 : vector<1024xf32> to vector<1x1024xf32>
    %dot_general3A_301 = arith.constant dense<0.000000e+00> : vector<512x1024xf32>
    %dot_general3A_302 = tpu.matmul %get3A_1, %get3A_296, %dot_general3A_301 {dimension_numbers = #tpu.dot_dimension_numbers<[1], [0], [0], [1], [0, 0, 1, 1], [], []>, transpose_lhs_hint = false} : vector<512x32xf32>, vector<32x1024xf32>, vector<512x1024xf32> -> vector<512x1024xf32>
    %add3A_303 = vector.broadcast %broadcast_in_dim3A_300 : vector<1x1024xf32> to vector<512x1024xf32>
    %add3A_304 = vector.broadcast %broadcast_in_dim3A : vector<512x1xf32> to vector<512x1024xf32>
    %add3A_305 = arith.addf %add3A_303, %add3A_304 : vector<512x1024xf32>
    %mul3A_306 = arith.constant 2.000000e+00 : f32
    %mul3A_307 = vector.broadcast %mul3A_306 : f32 to vector<512x1024xf32>
    %mul3A_308 = arith.mulf %mul3A_307, %dot_general3A_302 : vector<512x1024xf32>
    %sub3A_309 = arith.subf %add3A_305, %mul3A_308 : vector<512x1024xf32>
    %reduce_min3A_310 = arith.constant dense<0x7F800000> : vector<1024xf32>
    %reduce_min3A_311 = vector.multi_reduction <minimumf>, %sub3A_309, %reduce_min3A_310 [0] : vector<512x1024xf32> to vector<1024xf32>
    %broadcast_in_dim3A_312 = vector.shape_cast %reduce_min3A_311 : vector<1024xf32> to vector<1x1024xf32>
    %iota3A_313 = tpu.iota {dimensions = array<i32: 0>} : vector<512x1024xi32>
    %eq3A_314 = vector.broadcast %broadcast_in_dim3A_312 : vector<1x1024xf32> to vector<512x1024xf32>
    %eq3A_315 = arith.cmpf oeq, %sub3A_309, %eq3A_314 : vector<512x1024xf32>
    %jit3A_316 = arith.constant 512 : i32
    %broadcast_in_dim3A_317 = vector.broadcast %jit3A_316 : i32 to vector<512x1024xi32>
    %select_n3A_318 = arith.select %eq3A_315, %iota3A_313, %broadcast_in_dim3A_317 : vector<512x1024xi1>, vector<512x1024xi32>
    %reduce_min3A_319 = arith.constant dense<2147483647> : vector<1024xi32>
    %reduce_min3A_320 = vector.multi_reduction <minsi>, %select_n3A_318, %reduce_min3A_319 [0] : vector<512x1024xi32> to vector<1024xi32>
    %broadcast_in_dim3A_321 = vector.shape_cast %reduce_min3A_320 : vector<1024xi32> to vector<1x1024xi32>
    %swap3A_322 = arith.constant 7 : index
    %swap3A_323 = arith.constant 0 : index
    %swap3A_324 = arith.constant 0 : index
    %swap3A_325 = vector.load %arg3[%swap3A_322, %swap3A_323, %swap3A_324] : memref<16x1x1024xi32, #tpu.memory_space<vmem>>, vector<1x1x1024xi32>
    %swap3A_326 = vector.shape_cast %swap3A_325 : vector<1x1x1024xi32> to vector<1x1024xi32>
    %swap3A_327 = vector.shape_cast %broadcast_in_dim3A_321 : vector<1x1024xi32> to vector<1x1x1024xi32>
    tpu.vector_store %arg3[%swap3A_322, %swap3A_323, %swap3A_324], %swap3A_327 {strides = array<i32>} : memref<16x1x1024xi32, #tpu.memory_space<vmem>>, vector<1x1x1024xi32>,
    %reduce_sum3A_328 = vector.shape_cast %broadcast_in_dim3A_312 : vector<1x1024xf32> to vector<1x1x1024xf32>
    %reduce_sum3A_329 = arith.constant dense<0.000000e+00> : vector<1xf32>
    %reduce_sum3A_330 = vector.multi_reduction <add>, %reduce_sum3A_328, %reduce_sum3A_329 [1, 2] : vector<1x1x1024xf32> to vector<1xf32>
    %reduce_sum3A_331 = vector.shape_cast %reduce_sum3A_330 : vector<1xf32> to vector<1x1x1xf32>
    %reduce_sum3A_332 = vector.extract %reduce_sum3A_331[0, 0, 0] : f32 from vector<1x1x1xf32>
    %add3A_333 = arith.addf %add3A_291, %reduce_sum3A_332 : f32
    %get3A_334 = arith.constant 8 : index
    %get3A_335 = arith.constant 0 : index
    %get3A_336 = arith.constant 0 : index
    %get3A_337 = vector.load %arg1[%get3A_334, %get3A_335, %get3A_336] : memref<16x32x1024xf32, #tpu.memory_space<vmem>>, vector<1x32x1024xf32>
    %get3A_338 = vector.shape_cast %get3A_337 : vector<1x32x1024xf32> to vector<32x1024xf32>
    %mul3A_339 = arith.mulf %get3A_338, %get3A_338 : vector<32x1024xf32>
    %reduce_sum3A_340 = arith.constant dense<0.000000e+00> : vector<1024xf32>
    %reduce_sum3A_341 = vector.multi_reduction <add>, %mul3A_339, %reduce_sum3A_340 [0] : vector<32x1024xf32> to vector<1024xf32>
    %broadcast_in_dim3A_342 = vector.shape_cast %reduce_sum3A_341 : vector<1024xf32> to vector<1x1024xf32>
    %dot_general3A_343 = arith.constant dense<0.000000e+00> : vector<512x1024xf32>
    %dot_general3A_344 = tpu.matmul %get3A_1, %get3A_338, %dot_general3A_343 {dimension_numbers = #tpu.dot_dimension_numbers<[1], [0], [0], [1], [0, 0, 1, 1], [], []>, transpose_lhs_hint = false} : vector<512x32xf32>, vector<32x1024xf32>, vector<512x1024xf32> -> vector<512x1024xf32>
    %add3A_345 = vector.broadcast %broadcast_in_dim3A_342 : vector<1x1024xf32> to vector<512x1024xf32>
    %add3A_346 = vector.broadcast %broadcast_in_dim3A : vector<512x1xf32> to vector<512x1024xf32>
    %add3A_347 = arith.addf %add3A_345, %add3A_346 : vector<512x1024xf32>
    %mul3A_348 = arith.constant 2.000000e+00 : f32
    %mul3A_349 = vector.broadcast %mul3A_348 : f32 to vector<512x1024xf32>
    %mul3A_350 = arith.mulf %mul3A_349, %dot_general3A_344 : vector<512x1024xf32>
    %sub3A_351 = arith.subf %add3A_347, %mul3A_350 : vector<512x1024xf32>
    %reduce_min3A_352 = arith.constant dense<0x7F800000> : vector<1024xf32>
    %reduce_min3A_353 = vector.multi_reduction <minimumf>, %sub3A_351, %reduce_min3A_352 [0] : vector<512x1024xf32> to vector<1024xf32>
    %broadcast_in_dim3A_354 = vector.shape_cast %reduce_min3A_353 : vector<1024xf32> to vector<1x1024xf32>
    %iota3A_355 = tpu.iota {dimensions = array<i32: 0>} : vector<512x1024xi32>
    %eq3A_356 = vector.broadcast %broadcast_in_dim3A_354 : vector<1x1024xf32> to vector<512x1024xf32>
    %eq3A_357 = arith.cmpf oeq, %sub3A_351, %eq3A_356 : vector<512x1024xf32>
    %jit3A_358 = arith.constant 512 : i32
    %broadcast_in_dim3A_359 = vector.broadcast %jit3A_358 : i32 to vector<512x1024xi32>
    %select_n3A_360 = arith.select %eq3A_357, %iota3A_355, %broadcast_in_dim3A_359 : vector<512x1024xi1>, vector<512x1024xi32>
    %reduce_min3A_361 = arith.constant dense<2147483647> : vector<1024xi32>
    %reduce_min3A_362 = vector.multi_reduction <minsi>, %select_n3A_360, %reduce_min3A_361 [0] : vector<512x1024xi32> to vector<1024xi32>
    %broadcast_in_dim3A_363 = vector.shape_cast %reduce_min3A_362 : vector<1024xi32> to vector<1x1024xi32>
    %swap3A_364 = arith.constant 8 : index
    %swap3A_365 = arith.constant 0 : index
    %swap3A_366 = arith.constant 0 : index
    %swap3A_367 = vector.load %arg3[%swap3A_364, %swap3A_365, %swap3A_366] : memref<16x1x1024xi32, #tpu.memory_space<vmem>>, vector<1x1x1024xi32>
    %swap3A_368 = vector.shape_cast %swap3A_367 : vector<1x1x1024xi32> to vector<1x1024xi32>
    %swap3A_369 = vector.shape_cast %broadcast_in_dim3A_363 : vector<1x1024xi32> to vector<1x1x1024xi32>
    tpu.vector_store %arg3[%swap3A_364, %swap3A_365, %swap3A_366], %swap3A_369 {strides = array<i32>} : memref<16x1x1024xi32, #tpu.memory_space<vmem>>, vector<1x1x1024xi32>,
    %reduce_sum3A_370 = vector.shape_cast %broadcast_in_dim3A_354 : vector<1x1024xf32> to vector<1x1x1024xf32>
    %reduce_sum3A_371 = arith.constant dense<0.000000e+00> : vector<1xf32>
    %reduce_sum3A_372 = vector.multi_reduction <add>, %reduce_sum3A_370, %reduce_sum3A_371 [1, 2] : vector<1x1x1024xf32> to vector<1xf32>
    %reduce_sum3A_373 = vector.shape_cast %reduce_sum3A_372 : vector<1xf32> to vector<1x1x1xf32>
    %reduce_sum3A_374 = vector.extract %reduce_sum3A_373[0, 0, 0] : f32 from vector<1x1x1xf32>
    %add3A_375 = arith.addf %add3A_333, %reduce_sum3A_374 : f32
    %get3A_376 = arith.constant 9 : index
    %get3A_377 = arith.constant 0 : index
    %get3A_378 = arith.constant 0 : index
    %get3A_379 = vector.load %arg1[%get3A_376, %get3A_377, %get3A_378] : memref<16x32x1024xf32, #tpu.memory_space<vmem>>, vector<1x32x1024xf32>
    %get3A_380 = vector.shape_cast %get3A_379 : vector<1x32x1024xf32> to vector<32x1024xf32>
    %mul3A_381 = arith.mulf %get3A_380, %get3A_380 : vector<32x1024xf32>
    %reduce_sum3A_382 = arith.constant dense<0.000000e+00> : vector<1024xf32>
    %reduce_sum3A_383 = vector.multi_reduction <add>, %mul3A_381, %reduce_sum3A_382 [0] : vector<32x1024xf32> to vector<1024xf32>
    %broadcast_in_dim3A_384 = vector.shape_cast %reduce_sum3A_383 : vector<1024xf32> to vector<1x1024xf32>
    %dot_general3A_385 = arith.constant dense<0.000000e+00> : vector<512x1024xf32>
    %dot_general3A_386 = tpu.matmul %get3A_1, %get3A_380, %dot_general3A_385 {dimension_numbers = #tpu.dot_dimension_numbers<[1], [0], [0], [1], [0, 0, 1, 1], [], []>, transpose_lhs_hint = false} : vector<512x32xf32>, vector<32x1024xf32>, vector<512x1024xf32> -> vector<512x1024xf32>
    %add3A_387 = vector.broadcast %broadcast_in_dim3A_384 : vector<1x1024xf32> to vector<512x1024xf32>
    %add3A_388 = vector.broadcast %broadcast_in_dim3A : vector<512x1xf32> to vector<512x1024xf32>
    %add3A_389 = arith.addf %add3A_387, %add3A_388 : vector<512x1024xf32>
    %mul3A_390 = arith.constant 2.000000e+00 : f32
    %mul3A_391 = vector.broadcast %mul3A_390 : f32 to vector<512x1024xf32>
    %mul3A_392 = arith.mulf %mul3A_391, %dot_general3A_386 : vector<512x1024xf32>
    %sub3A_393 = arith.subf %add3A_389, %mul3A_392 : vector<512x1024xf32>
    %reduce_min3A_394 = arith.constant dense<0x7F800000> : vector<1024xf32>
    %reduce_min3A_395 = vector.multi_reduction <minimumf>, %sub3A_393, %reduce_min3A_394 [0] : vector<512x1024xf32> to vector<1024xf32>
    %broadcast_in_dim3A_396 = vector.shape_cast %reduce_min3A_395 : vector<1024xf32> to vector<1x1024xf32>
    %iota3A_397 = tpu.iota {dimensions = array<i32: 0>} : vector<512x1024xi32>
    %eq3A_398 = vector.broadcast %broadcast_in_dim3A_396 : vector<1x1024xf32> to vector<512x1024xf32>
    %eq3A_399 = arith.cmpf oeq, %sub3A_393, %eq3A_398 : vector<512x1024xf32>
    %jit3A_400 = arith.constant 512 : i32
    %broadcast_in_dim3A_401 = vector.broadcast %jit3A_400 : i32 to vector<512x1024xi32>
    %select_n3A_402 = arith.select %eq3A_399, %iota3A_397, %broadcast_in_dim3A_401 : vector<512x1024xi1>, vector<512x1024xi32>
    %reduce_min3A_403 = arith.constant dense<2147483647> : vector<1024xi32>
    %reduce_min3A_404 = vector.multi_reduction <minsi>, %select_n3A_402, %reduce_min3A_403 [0] : vector<512x1024xi32> to vector<1024xi32>
    %broadcast_in_dim3A_405 = vector.shape_cast %reduce_min3A_404 : vector<1024xi32> to vector<1x1024xi32>
    %swap3A_406 = arith.constant 9 : index
    %swap3A_407 = arith.constant 0 : index
    %swap3A_408 = arith.constant 0 : index
    %swap3A_409 = vector.load %arg3[%swap3A_406, %swap3A_407, %swap3A_408] : memref<16x1x1024xi32, #tpu.memory_space<vmem>>, vector<1x1x1024xi32>
    %swap3A_410 = vector.shape_cast %swap3A_409 : vector<1x1x1024xi32> to vector<1x1024xi32>
    %swap3A_411 = vector.shape_cast %broadcast_in_dim3A_405 : vector<1x1024xi32> to vector<1x1x1024xi32>
    tpu.vector_store %arg3[%swap3A_406, %swap3A_407, %swap3A_408], %swap3A_411 {strides = array<i32>} : memref<16x1x1024xi32, #tpu.memory_space<vmem>>, vector<1x1x1024xi32>,
    %reduce_sum3A_412 = vector.shape_cast %broadcast_in_dim3A_396 : vector<1x1024xf32> to vector<1x1x1024xf32>
    %reduce_sum3A_413 = arith.constant dense<0.000000e+00> : vector<1xf32>
    %reduce_sum3A_414 = vector.multi_reduction <add>, %reduce_sum3A_412, %reduce_sum3A_413 [1, 2] : vector<1x1x1024xf32> to vector<1xf32>
    %reduce_sum3A_415 = vector.shape_cast %reduce_sum3A_414 : vector<1xf32> to vector<1x1x1xf32>
    %reduce_sum3A_416 = vector.extract %reduce_sum3A_415[0, 0, 0] : f32 from vector<1x1x1xf32>
    %add3A_417 = arith.addf %add3A_375, %reduce_sum3A_416 : f32
    %get3A_418 = arith.constant 10 : index
    %get3A_419 = arith.constant 0 : index
    %get3A_420 = arith.constant 0 : index
    %get3A_421 = vector.load %arg1[%get3A_418, %get3A_419, %get3A_420] : memref<16x32x1024xf32, #tpu.memory_space<vmem>>, vector<1x32x1024xf32>
    %get3A_422 = vector.shape_cast %get3A_421 : vector<1x32x1024xf32> to vector<32x1024xf32>
    %mul3A_423 = arith.mulf %get3A_422, %get3A_422 : vector<32x1024xf32>
    %reduce_sum3A_424 = arith.constant dense<0.000000e+00> : vector<1024xf32>
    %reduce_sum3A_425 = vector.multi_reduction <add>, %mul3A_423, %reduce_sum3A_424 [0] : vector<32x1024xf32> to vector<1024xf32>
    %broadcast_in_dim3A_426 = vector.shape_cast %reduce_sum3A_425 : vector<1024xf32> to vector<1x1024xf32>
    %dot_general3A_427 = arith.constant dense<0.000000e+00> : vector<512x1024xf32>
    %dot_general3A_428 = tpu.matmul %get3A_1, %get3A_422, %dot_general3A_427 {dimension_numbers = #tpu.dot_dimension_numbers<[1], [0], [0], [1], [0, 0, 1, 1], [], []>, transpose_lhs_hint = false} : vector<512x32xf32>, vector<32x1024xf32>, vector<512x1024xf32> -> vector<512x1024xf32>
    %add3A_429 = vector.broadcast %broadcast_in_dim3A_426 : vector<1x1024xf32> to vector<512x1024xf32>
    %add3A_430 = vector.broadcast %broadcast_in_dim3A : vector<512x1xf32> to vector<512x1024xf32>
    %add3A_431 = arith.addf %add3A_429, %add3A_430 : vector<512x1024xf32>
    %mul3A_432 = arith.constant 2.000000e+00 : f32
    %mul3A_433 = vector.broadcast %mul3A_432 : f32 to vector<512x1024xf32>
    %mul3A_434 = arith.mulf %mul3A_433, %dot_general3A_428 : vector<512x1024xf32>
    %sub3A_435 = arith.subf %add3A_431, %mul3A_434 : vector<512x1024xf32>
    %reduce_min3A_436 = arith.constant dense<0x7F800000> : vector<1024xf32>
    %reduce_min3A_437 = vector.multi_reduction <minimumf>, %sub3A_435, %reduce_min3A_436 [0] : vector<512x1024xf32> to vector<1024xf32>
    %broadcast_in_dim3A_438 = vector.shape_cast %reduce_min3A_437 : vector<1024xf32> to vector<1x1024xf32>
    %iota3A_439 = tpu.iota {dimensions = array<i32: 0>} : vector<512x1024xi32>
    %eq3A_440 = vector.broadcast %broadcast_in_dim3A_438 : vector<1x1024xf32> to vector<512x1024xf32>
    %eq3A_441 = arith.cmpf oeq, %sub3A_435, %eq3A_440 : vector<512x1024xf32>
    %jit3A_442 = arith.constant 512 : i32
    %broadcast_in_dim3A_443 = vector.broadcast %jit3A_442 : i32 to vector<512x1024xi32>
    %select_n3A_444 = arith.select %eq3A_441, %iota3A_439, %broadcast_in_dim3A_443 : vector<512x1024xi1>, vector<512x1024xi32>
    %reduce_min3A_445 = arith.constant dense<2147483647> : vector<1024xi32>
    %reduce_min3A_446 = vector.multi_reduction <minsi>, %select_n3A_444, %reduce_min3A_445 [0] : vector<512x1024xi32> to vector<1024xi32>
    %broadcast_in_dim3A_447 = vector.shape_cast %reduce_min3A_446 : vector<1024xi32> to vector<1x1024xi32>
    %swap3A_448 = arith.constant 10 : index
    %swap3A_449 = arith.constant 0 : index
    %swap3A_450 = arith.constant 0 : index
    %swap3A_451 = vector.load %arg3[%swap3A_448, %swap3A_449, %swap3A_450] : memref<16x1x1024xi32, #tpu.memory_space<vmem>>, vector<1x1x1024xi32>
    %swap3A_452 = vector.shape_cast %swap3A_451 : vector<1x1x1024xi32> to vector<1x1024xi32>
    %swap3A_453 = vector.shape_cast %broadcast_in_dim3A_447 : vector<1x1024xi32> to vector<1x1x1024xi32>
    tpu.vector_store %arg3[%swap3A_448, %swap3A_449, %swap3A_450], %swap3A_453 {strides = array<i32>} : memref<16x1x1024xi32, #tpu.memory_space<vmem>>, vector<1x1x1024xi32>,
    %reduce_sum3A_454 = vector.shape_cast %broadcast_in_dim3A_438 : vector<1x1024xf32> to vector<1x1x1024xf32>
    %reduce_sum3A_455 = arith.constant dense<0.000000e+00> : vector<1xf32>
    %reduce_sum3A_456 = vector.multi_reduction <add>, %reduce_sum3A_454, %reduce_sum3A_455 [1, 2] : vector<1x1x1024xf32> to vector<1xf32>
    %reduce_sum3A_457 = vector.shape_cast %reduce_sum3A_456 : vector<1xf32> to vector<1x1x1xf32>
    %reduce_sum3A_458 = vector.extract %reduce_sum3A_457[0, 0, 0] : f32 from vector<1x1x1xf32>
    %add3A_459 = arith.addf %add3A_417, %reduce_sum3A_458 : f32
    %get3A_460 = arith.constant 11 : index
    %get3A_461 = arith.constant 0 : index
    %get3A_462 = arith.constant 0 : index
    %get3A_463 = vector.load %arg1[%get3A_460, %get3A_461, %get3A_462] : memref<16x32x1024xf32, #tpu.memory_space<vmem>>, vector<1x32x1024xf32>
    %get3A_464 = vector.shape_cast %get3A_463 : vector<1x32x1024xf32> to vector<32x1024xf32>
    %mul3A_465 = arith.mulf %get3A_464, %get3A_464 : vector<32x1024xf32>
    %reduce_sum3A_466 = arith.constant dense<0.000000e+00> : vector<1024xf32>
    %reduce_sum3A_467 = vector.multi_reduction <add>, %mul3A_465, %reduce_sum3A_466 [0] : vector<32x1024xf32> to vector<1024xf32>
    %broadcast_in_dim3A_468 = vector.shape_cast %reduce_sum3A_467 : vector<1024xf32> to vector<1x1024xf32>
    %dot_general3A_469 = arith.constant dense<0.000000e+00> : vector<512x1024xf32>
    %dot_general3A_470 = tpu.matmul %get3A_1, %get3A_464, %dot_general3A_469 {dimension_numbers = #tpu.dot_dimension_numbers<[1], [0], [0], [1], [0, 0, 1, 1], [], []>, transpose_lhs_hint = false} : vector<512x32xf32>, vector<32x1024xf32>, vector<512x1024xf32> -> vector<512x1024xf32>
    %add3A_471 = vector.broadcast %broadcast_in_dim3A_468 : vector<1x1024xf32> to vector<512x1024xf32>
    %add3A_472 = vector.broadcast %broadcast_in_dim3A : vector<512x1xf32> to vector<512x1024xf32>
    %add3A_473 = arith.addf %add3A_471, %add3A_472 : vector<512x1024xf32>
    %mul3A_474 = arith.constant 2.000000e+00 : f32
    %mul3A_475 = vector.broadcast %mul3A_474 : f32 to vector<512x1024xf32>
    %mul3A_476 = arith.mulf %mul3A_475, %dot_general3A_470 : vector<512x1024xf32>
    %sub3A_477 = arith.subf %add3A_473, %mul3A_476 : vector<512x1024xf32>
    %reduce_min3A_478 = arith.constant dense<0x7F800000> : vector<1024xf32>
    %reduce_min3A_479 = vector.multi_reduction <minimumf>, %sub3A_477, %reduce_min3A_478 [0] : vector<512x1024xf32> to vector<1024xf32>
    %broadcast_in_dim3A_480 = vector.shape_cast %reduce_min3A_479 : vector<1024xf32> to vector<1x1024xf32>
    %iota3A_481 = tpu.iota {dimensions = array<i32: 0>} : vector<512x1024xi32>
    %eq3A_482 = vector.broadcast %broadcast_in_dim3A_480 : vector<1x1024xf32> to vector<512x1024xf32>
    %eq3A_483 = arith.cmpf oeq, %sub3A_477, %eq3A_482 : vector<512x1024xf32>
    %jit3A_484 = arith.constant 512 : i32
    %broadcast_in_dim3A_485 = vector.broadcast %jit3A_484 : i32 to vector<512x1024xi32>
    %select_n3A_486 = arith.select %eq3A_483, %iota3A_481, %broadcast_in_dim3A_485 : vector<512x1024xi1>, vector<512x1024xi32>
    %reduce_min3A_487 = arith.constant dense<2147483647> : vector<1024xi32>
    %reduce_min3A_488 = vector.multi_reduction <minsi>, %select_n3A_486, %reduce_min3A_487 [0] : vector<512x1024xi32> to vector<1024xi32>
    %broadcast_in_dim3A_489 = vector.shape_cast %reduce_min3A_488 : vector<1024xi32> to vector<1x1024xi32>
    %swap3A_490 = arith.constant 11 : index
    %swap3A_491 = arith.constant 0 : index
    %swap3A_492 = arith.constant 0 : index
    %swap3A_493 = vector.load %arg3[%swap3A_490, %swap3A_491, %swap3A_492] : memref<16x1x1024xi32, #tpu.memory_space<vmem>>, vector<1x1x1024xi32>
    %swap3A_494 = vector.shape_cast %swap3A_493 : vector<1x1x1024xi32> to vector<1x1024xi32>
    %swap3A_495 = vector.shape_cast %broadcast_in_dim3A_489 : vector<1x1024xi32> to vector<1x1x1024xi32>
    tpu.vector_store %arg3[%swap3A_490, %swap3A_491, %swap3A_492], %swap3A_495 {strides = array<i32>} : memref<16x1x1024xi32, #tpu.memory_space<vmem>>, vector<1x1x1024xi32>,
    %reduce_sum3A_496 = vector.shape_cast %broadcast_in_dim3A_480 : vector<1x1024xf32> to vector<1x1x1024xf32>
    %reduce_sum3A_497 = arith.constant dense<0.000000e+00> : vector<1xf32>
    %reduce_sum3A_498 = vector.multi_reduction <add>, %reduce_sum3A_496, %reduce_sum3A_497 [1, 2] : vector<1x1x1024xf32> to vector<1xf32>
    %reduce_sum3A_499 = vector.shape_cast %reduce_sum3A_498 : vector<1xf32> to vector<1x1x1xf32>
    %reduce_sum3A_500 = vector.extract %reduce_sum3A_499[0, 0, 0] : f32 from vector<1x1x1xf32>
    %add3A_501 = arith.addf %add3A_459, %reduce_sum3A_500 : f32
    %get3A_502 = arith.constant 12 : index
    %get3A_503 = arith.constant 0 : index
    %get3A_504 = arith.constant 0 : index
    %get3A_505 = vector.load %arg1[%get3A_502, %get3A_503, %get3A_504] : memref<16x32x1024xf32, #tpu.memory_space<vmem>>, vector<1x32x1024xf32>
    %get3A_506 = vector.shape_cast %get3A_505 : vector<1x32x1024xf32> to vector<32x1024xf32>
    %mul3A_507 = arith.mulf %get3A_506, %get3A_506 : vector<32x1024xf32>
    %reduce_sum3A_508 = arith.constant dense<0.000000e+00> : vector<1024xf32>
    %reduce_sum3A_509 = vector.multi_reduction <add>, %mul3A_507, %reduce_sum3A_508 [0] : vector<32x1024xf32> to vector<1024xf32>
    %broadcast_in_dim3A_510 = vector.shape_cast %reduce_sum3A_509 : vector<1024xf32> to vector<1x1024xf32>
    %dot_general3A_511 = arith.constant dense<0.000000e+00> : vector<512x1024xf32>
    %dot_general3A_512 = tpu.matmul %get3A_1, %get3A_506, %dot_general3A_511 {dimension_numbers = #tpu.dot_dimension_numbers<[1], [0], [0], [1], [0, 0, 1, 1], [], []>, transpose_lhs_hint = false} : vector<512x32xf32>, vector<32x1024xf32>, vector<512x1024xf32> -> vector<512x1024xf32>
    %add3A_513 = vector.broadcast %broadcast_in_dim3A_510 : vector<1x1024xf32> to vector<512x1024xf32>
    %add3A_514 = vector.broadcast %broadcast_in_dim3A : vector<512x1xf32> to vector<512x1024xf32>
    %add3A_515 = arith.addf %add3A_513, %add3A_514 : vector<512x1024xf32>
    %mul3A_516 = arith.constant 2.000000e+00 : f32
    %mul3A_517 = vector.broadcast %mul3A_516 : f32 to vector<512x1024xf32>
    %mul3A_518 = arith.mulf %mul3A_517, %dot_general3A_512 : vector<512x1024xf32>
    %sub3A_519 = arith.subf %add3A_515, %mul3A_518 : vector<512x1024xf32>
    %reduce_min3A_520 = arith.constant dense<0x7F800000> : vector<1024xf32>
    %reduce_min3A_521 = vector.multi_reduction <minimumf>, %sub3A_519, %reduce_min3A_520 [0] : vector<512x1024xf32> to vector<1024xf32>
    %broadcast_in_dim3A_522 = vector.shape_cast %reduce_min3A_521 : vector<1024xf32> to vector<1x1024xf32>
    %iota3A_523 = tpu.iota {dimensions = array<i32: 0>} : vector<512x1024xi32>
    %eq3A_524 = vector.broadcast %broadcast_in_dim3A_522 : vector<1x1024xf32> to vector<512x1024xf32>
    %eq3A_525 = arith.cmpf oeq, %sub3A_519, %eq3A_524 : vector<512x1024xf32>
    %jit3A_526 = arith.constant 512 : i32
    %broadcast_in_dim3A_527 = vector.broadcast %jit3A_526 : i32 to vector<512x1024xi32>
    %select_n3A_528 = arith.select %eq3A_525, %iota3A_523, %broadcast_in_dim3A_527 : vector<512x1024xi1>, vector<512x1024xi32>
    %reduce_min3A_529 = arith.constant dense<2147483647> : vector<1024xi32>
    %reduce_min3A_530 = vector.multi_reduction <minsi>, %select_n3A_528, %reduce_min3A_529 [0] : vector<512x1024xi32> to vector<1024xi32>
    %broadcast_in_dim3A_531 = vector.shape_cast %reduce_min3A_530 : vector<1024xi32> to vector<1x1024xi32>
    %swap3A_532 = arith.constant 12 : index
    %swap3A_533 = arith.constant 0 : index
    %swap3A_534 = arith.constant 0 : index
    %swap3A_535 = vector.load %arg3[%swap3A_532, %swap3A_533, %swap3A_534] : memref<16x1x1024xi32, #tpu.memory_space<vmem>>, vector<1x1x1024xi32>
    %swap3A_536 = vector.shape_cast %swap3A_535 : vector<1x1x1024xi32> to vector<1x1024xi32>
    %swap3A_537 = vector.shape_cast %broadcast_in_dim3A_531 : vector<1x1024xi32> to vector<1x1x1024xi32>
    tpu.vector_store %arg3[%swap3A_532, %swap3A_533, %swap3A_534], %swap3A_537 {strides = array<i32>} : memref<16x1x1024xi32, #tpu.memory_space<vmem>>, vector<1x1x1024xi32>,
    %reduce_sum3A_538 = vector.shape_cast %broadcast_in_dim3A_522 : vector<1x1024xf32> to vector<1x1x1024xf32>
    %reduce_sum3A_539 = arith.constant dense<0.000000e+00> : vector<1xf32>
    %reduce_sum3A_540 = vector.multi_reduction <add>, %reduce_sum3A_538, %reduce_sum3A_539 [1, 2] : vector<1x1x1024xf32> to vector<1xf32>
    %reduce_sum3A_541 = vector.shape_cast %reduce_sum3A_540 : vector<1xf32> to vector<1x1x1xf32>
    %reduce_sum3A_542 = vector.extract %reduce_sum3A_541[0, 0, 0] : f32 from vector<1x1x1xf32>
    %add3A_543 = arith.addf %add3A_501, %reduce_sum3A_542 : f32
    %get3A_544 = arith.constant 13 : index
    %get3A_545 = arith.constant 0 : index
    %get3A_546 = arith.constant 0 : index
    %get3A_547 = vector.load %arg1[%get3A_544, %get3A_545, %get3A_546] : memref<16x32x1024xf32, #tpu.memory_space<vmem>>, vector<1x32x1024xf32>
    %get3A_548 = vector.shape_cast %get3A_547 : vector<1x32x1024xf32> to vector<32x1024xf32>
    %mul3A_549 = arith.mulf %get3A_548, %get3A_548 : vector<32x1024xf32>
    %reduce_sum3A_550 = arith.constant dense<0.000000e+00> : vector<1024xf32>
    %reduce_sum3A_551 = vector.multi_reduction <add>, %mul3A_549, %reduce_sum3A_550 [0] : vector<32x1024xf32> to vector<1024xf32>
    %broadcast_in_dim3A_552 = vector.shape_cast %reduce_sum3A_551 : vector<1024xf32> to vector<1x1024xf32>
    %dot_general3A_553 = arith.constant dense<0.000000e+00> : vector<512x1024xf32>
    %dot_general3A_554 = tpu.matmul %get3A_1, %get3A_548, %dot_general3A_553 {dimension_numbers = #tpu.dot_dimension_numbers<[1], [0], [0], [1], [0, 0, 1, 1], [], []>, transpose_lhs_hint = false} : vector<512x32xf32>, vector<32x1024xf32>, vector<512x1024xf32> -> vector<512x1024xf32>
    %add3A_555 = vector.broadcast %broadcast_in_dim3A_552 : vector<1x1024xf32> to vector<512x1024xf32>
    %add3A_556 = vector.broadcast %broadcast_in_dim3A : vector<512x1xf32> to vector<512x1024xf32>
    %add3A_557 = arith.addf %add3A_555, %add3A_556 : vector<512x1024xf32>
    %mul3A_558 = arith.constant 2.000000e+00 : f32
    %mul3A_559 = vector.broadcast %mul3A_558 : f32 to vector<512x1024xf32>
    %mul3A_560 = arith.mulf %mul3A_559, %dot_general3A_554 : vector<512x1024xf32>
    %sub3A_561 = arith.subf %add3A_557, %mul3A_560 : vector<512x1024xf32>
    %reduce_min3A_562 = arith.constant dense<0x7F800000> : vector<1024xf32>
    %reduce_min3A_563 = vector.multi_reduction <minimumf>, %sub3A_561, %reduce_min3A_562 [0] : vector<512x1024xf32> to vector<1024xf32>
    %broadcast_in_dim3A_564 = vector.shape_cast %reduce_min3A_563 : vector<1024xf32> to vector<1x1024xf32>
    %iota3A_565 = tpu.iota {dimensions = array<i32: 0>} : vector<512x1024xi32>
    %eq3A_566 = vector.broadcast %broadcast_in_dim3A_564 : vector<1x1024xf32> to vector<512x1024xf32>
    %eq3A_567 = arith.cmpf oeq, %sub3A_561, %eq3A_566 : vector<512x1024xf32>
    %jit3A_568 = arith.constant 512 : i32
    %broadcast_in_dim3A_569 = vector.broadcast %jit3A_568 : i32 to vector<512x1024xi32>
    %select_n3A_570 = arith.select %eq3A_567, %iota3A_565, %broadcast_in_dim3A_569 : vector<512x1024xi1>, vector<512x1024xi32>
    %reduce_min3A_571 = arith.constant dense<2147483647> : vector<1024xi32>
    %reduce_min3A_572 = vector.multi_reduction <minsi>, %select_n3A_570, %reduce_min3A_571 [0] : vector<512x1024xi32> to vector<1024xi32>
    %broadcast_in_dim3A_573 = vector.shape_cast %reduce_min3A_572 : vector<1024xi32> to vector<1x1024xi32>
    %swap3A_574 = arith.constant 13 : index
    %swap3A_575 = arith.constant 0 : index
    %swap3A_576 = arith.constant 0 : index
    %swap3A_577 = vector.load %arg3[%swap3A_574, %swap3A_575, %swap3A_576] : memref<16x1x1024xi32, #tpu.memory_space<vmem>>, vector<1x1x1024xi32>
    %swap3A_578 = vector.shape_cast %swap3A_577 : vector<1x1x1024xi32> to vector<1x1024xi32>
    %swap3A_579 = vector.shape_cast %broadcast_in_dim3A_573 : vector<1x1024xi32> to vector<1x1x1024xi32>
    tpu.vector_store %arg3[%swap3A_574, %swap3A_575, %swap3A_576], %swap3A_579 {strides = array<i32>} : memref<16x1x1024xi32, #tpu.memory_space<vmem>>, vector<1x1x1024xi32>,
    %reduce_sum3A_580 = vector.shape_cast %broadcast_in_dim3A_564 : vector<1x1024xf32> to vector<1x1x1024xf32>
    %reduce_sum3A_581 = arith.constant dense<0.000000e+00> : vector<1xf32>
    %reduce_sum3A_582 = vector.multi_reduction <add>, %reduce_sum3A_580, %reduce_sum3A_581 [1, 2] : vector<1x1x1024xf32> to vector<1xf32>
    %reduce_sum3A_583 = vector.shape_cast %reduce_sum3A_582 : vector<1xf32> to vector<1x1x1xf32>
    %reduce_sum3A_584 = vector.extract %reduce_sum3A_583[0, 0, 0] : f32 from vector<1x1x1xf32>
    %add3A_585 = arith.addf %add3A_543, %reduce_sum3A_584 : f32
    %get3A_586 = arith.constant 14 : index
    %get3A_587 = arith.constant 0 : index
    %get3A_588 = arith.constant 0 : index
    %get3A_589 = vector.load %arg1[%get3A_586, %get3A_587, %get3A_588] : memref<16x32x1024xf32, #tpu.memory_space<vmem>>, vector<1x32x1024xf32>
    %get3A_590 = vector.shape_cast %get3A_589 : vector<1x32x1024xf32> to vector<32x1024xf32>
    %mul3A_591 = arith.mulf %get3A_590, %get3A_590 : vector<32x1024xf32>
    %reduce_sum3A_592 = arith.constant dense<0.000000e+00> : vector<1024xf32>
    %reduce_sum3A_593 = vector.multi_reduction <add>, %mul3A_591, %reduce_sum3A_592 [0] : vector<32x1024xf32> to vector<1024xf32>
    %broadcast_in_dim3A_594 = vector.shape_cast %reduce_sum3A_593 : vector<1024xf32> to vector<1x1024xf32>
    %dot_general3A_595 = arith.constant dense<0.000000e+00> : vector<512x1024xf32>
    %dot_general3A_596 = tpu.matmul %get3A_1, %get3A_590, %dot_general3A_595 {dimension_numbers = #tpu.dot_dimension_numbers<[1], [0], [0], [1], [0, 0, 1, 1], [], []>, transpose_lhs_hint = false} : vector<512x32xf32>, vector<32x1024xf32>, vector<512x1024xf32> -> vector<512x1024xf32>
    %add3A_597 = vector.broadcast %broadcast_in_dim3A_594 : vector<1x1024xf32> to vector<512x1024xf32>
    %add3A_598 = vector.broadcast %broadcast_in_dim3A : vector<512x1xf32> to vector<512x1024xf32>
    %add3A_599 = arith.addf %add3A_597, %add3A_598 : vector<512x1024xf32>
    %mul3A_600 = arith.constant 2.000000e+00 : f32
    %mul3A_601 = vector.broadcast %mul3A_600 : f32 to vector<512x1024xf32>
    %mul3A_602 = arith.mulf %mul3A_601, %dot_general3A_596 : vector<512x1024xf32>
    %sub3A_603 = arith.subf %add3A_599, %mul3A_602 : vector<512x1024xf32>
    %reduce_min3A_604 = arith.constant dense<0x7F800000> : vector<1024xf32>
    %reduce_min3A_605 = vector.multi_reduction <minimumf>, %sub3A_603, %reduce_min3A_604 [0] : vector<512x1024xf32> to vector<1024xf32>
    %broadcast_in_dim3A_606 = vector.shape_cast %reduce_min3A_605 : vector<1024xf32> to vector<1x1024xf32>
    %iota3A_607 = tpu.iota {dimensions = array<i32: 0>} : vector<512x1024xi32>
    %eq3A_608 = vector.broadcast %broadcast_in_dim3A_606 : vector<1x1024xf32> to vector<512x1024xf32>
    %eq3A_609 = arith.cmpf oeq, %sub3A_603, %eq3A_608 : vector<512x1024xf32>
    %jit3A_610 = arith.constant 512 : i32
    %broadcast_in_dim3A_611 = vector.broadcast %jit3A_610 : i32 to vector<512x1024xi32>
    %select_n3A_612 = arith.select %eq3A_609, %iota3A_607, %broadcast_in_dim3A_611 : vector<512x1024xi1>, vector<512x1024xi32>
    %reduce_min3A_613 = arith.constant dense<2147483647> : vector<1024xi32>
    %reduce_min3A_614 = vector.multi_reduction <minsi>, %select_n3A_612, %reduce_min3A_613 [0] : vector<512x1024xi32> to vector<1024xi32>
    %broadcast_in_dim3A_615 = vector.shape_cast %reduce_min3A_614 : vector<1024xi32> to vector<1x1024xi32>
    %swap3A_616 = arith.constant 14 : index
    %swap3A_617 = arith.constant 0 : index
    %swap3A_618 = arith.constant 0 : index
    %swap3A_619 = vector.load %arg3[%swap3A_616, %swap3A_617, %swap3A_618] : memref<16x1x1024xi32, #tpu.memory_space<vmem>>, vector<1x1x1024xi32>
    %swap3A_620 = vector.shape_cast %swap3A_619 : vector<1x1x1024xi32> to vector<1x1024xi32>
    %swap3A_621 = vector.shape_cast %broadcast_in_dim3A_615 : vector<1x1024xi32> to vector<1x1x1024xi32>
    tpu.vector_store %arg3[%swap3A_616, %swap3A_617, %swap3A_618], %swap3A_621 {strides = array<i32>} : memref<16x1x1024xi32, #tpu.memory_space<vmem>>, vector<1x1x1024xi32>,
    %reduce_sum3A_622 = vector.shape_cast %broadcast_in_dim3A_606 : vector<1x1024xf32> to vector<1x1x1024xf32>
    %reduce_sum3A_623 = arith.constant dense<0.000000e+00> : vector<1xf32>
    %reduce_sum3A_624 = vector.multi_reduction <add>, %reduce_sum3A_622, %reduce_sum3A_623 [1, 2] : vector<1x1x1024xf32> to vector<1xf32>
    %reduce_sum3A_625 = vector.shape_cast %reduce_sum3A_624 : vector<1xf32> to vector<1x1x1xf32>
    %reduce_sum3A_626 = vector.extract %reduce_sum3A_625[0, 0, 0] : f32 from vector<1x1x1xf32>
    %add3A_627 = arith.addf %add3A_585, %reduce_sum3A_626 : f32
    %get3A_628 = arith.constant 15 : index
    %get3A_629 = arith.constant 0 : index
    %get3A_630 = arith.constant 0 : index
    %get3A_631 = vector.load %arg1[%get3A_628, %get3A_629, %get3A_630] : memref<16x32x1024xf32, #tpu.memory_space<vmem>>, vector<1x32x1024xf32>
    %get3A_632 = vector.shape_cast %get3A_631 : vector<1x32x1024xf32> to vector<32x1024xf32>
    %mul3A_633 = arith.mulf %get3A_632, %get3A_632 : vector<32x1024xf32>
    %reduce_sum3A_634 = arith.constant dense<0.000000e+00> : vector<1024xf32>
    %reduce_sum3A_635 = vector.multi_reduction <add>, %mul3A_633, %reduce_sum3A_634 [0] : vector<32x1024xf32> to vector<1024xf32>
    %broadcast_in_dim3A_636 = vector.shape_cast %reduce_sum3A_635 : vector<1024xf32> to vector<1x1024xf32>
    %dot_general3A_637 = arith.constant dense<0.000000e+00> : vector<512x1024xf32>
    %dot_general3A_638 = tpu.matmul %get3A_1, %get3A_632, %dot_general3A_637 {dimension_numbers = #tpu.dot_dimension_numbers<[1], [0], [0], [1], [0, 0, 1, 1], [], []>, transpose_lhs_hint = false} : vector<512x32xf32>, vector<32x1024xf32>, vector<512x1024xf32> -> vector<512x1024xf32>
    %add3A_639 = vector.broadcast %broadcast_in_dim3A_636 : vector<1x1024xf32> to vector<512x1024xf32>
    %add3A_640 = vector.broadcast %broadcast_in_dim3A : vector<512x1xf32> to vector<512x1024xf32>
    %add3A_641 = arith.addf %add3A_639, %add3A_640 : vector<512x1024xf32>
    %mul3A_642 = arith.constant 2.000000e+00 : f32
    %mul3A_643 = vector.broadcast %mul3A_642 : f32 to vector<512x1024xf32>
    %mul3A_644 = arith.mulf %mul3A_643, %dot_general3A_638 : vector<512x1024xf32>
    %sub3A_645 = arith.subf %add3A_641, %mul3A_644 : vector<512x1024xf32>
    %reduce_min3A_646 = arith.constant dense<0x7F800000> : vector<1024xf32>
    %reduce_min3A_647 = vector.multi_reduction <minimumf>, %sub3A_645, %reduce_min3A_646 [0] : vector<512x1024xf32> to vector<1024xf32>
    %broadcast_in_dim3A_648 = vector.shape_cast %reduce_min3A_647 : vector<1024xf32> to vector<1x1024xf32>
    %iota3A_649 = tpu.iota {dimensions = array<i32: 0>} : vector<512x1024xi32>
    %eq3A_650 = vector.broadcast %broadcast_in_dim3A_648 : vector<1x1024xf32> to vector<512x1024xf32>
    %eq3A_651 = arith.cmpf oeq, %sub3A_645, %eq3A_650 : vector<512x1024xf32>
    %jit3A_652 = arith.constant 512 : i32
    %broadcast_in_dim3A_653 = vector.broadcast %jit3A_652 : i32 to vector<512x1024xi32>
    %select_n3A_654 = arith.select %eq3A_651, %iota3A_649, %broadcast_in_dim3A_653 : vector<512x1024xi1>, vector<512x1024xi32>
    %reduce_min3A_655 = arith.constant dense<2147483647> : vector<1024xi32>
    %reduce_min3A_656 = vector.multi_reduction <minsi>, %select_n3A_654, %reduce_min3A_655 [0] : vector<512x1024xi32> to vector<1024xi32>
    %broadcast_in_dim3A_657 = vector.shape_cast %reduce_min3A_656 : vector<1024xi32> to vector<1x1024xi32>
    %swap3A_658 = arith.constant 15 : index
    %swap3A_659 = arith.constant 0 : index
    %swap3A_660 = arith.constant 0 : index
    %swap3A_661 = vector.load %arg3[%swap3A_658, %swap3A_659, %swap3A_660] : memref<16x1x1024xi32, #tpu.memory_space<vmem>>, vector<1x1x1024xi32>
    %swap3A_662 = vector.shape_cast %swap3A_661 : vector<1x1x1024xi32> to vector<1x1024xi32>
    %swap3A_663 = vector.shape_cast %broadcast_in_dim3A_657 : vector<1x1024xi32> to vector<1x1x1024xi32>
    tpu.vector_store %arg3[%swap3A_658, %swap3A_659, %swap3A_660], %swap3A_663 {strides = array<i32>} : memref<16x1x1024xi32, #tpu.memory_space<vmem>>, vector<1x1x1024xi32>,
    %reduce_sum3A_664 = vector.shape_cast %broadcast_in_dim3A_648 : vector<1x1024xf32> to vector<1x1x1024xf32>
    %reduce_sum3A_665 = arith.constant dense<0.000000e+00> : vector<1xf32>
    %reduce_sum3A_666 = vector.multi_reduction <add>, %reduce_sum3A_664, %reduce_sum3A_665 [1, 2] : vector<1x1x1024xf32> to vector<1xf32>
    %reduce_sum3A_667 = vector.shape_cast %reduce_sum3A_666 : vector<1xf32> to vector<1x1x1xf32>
    %reduce_sum3A_668 = vector.extract %reduce_sum3A_667[0, 0, 0] : f32 from vector<1x1x1xf32>
    %add3A_669 = arith.addf %add3A_627, %reduce_sum3A_668 : f32
    %get3A_670 = arith.constant 0 : index
    %get3A_671 = arith.constant 0 : index
    %get3A_672 = memref.load %arg4[%get3A_670, %get3A_671] : memref<1x1xf32, #tpu.memory_space<smem>>
    %add3A_673 = arith.addf %get3A_672, %add3A_669 : f32
    %swap3A_674 = arith.constant 0 : index
    %swap3A_675 = arith.constant 0 : index
    %swap3A_676 = memref.load %arg4[%swap3A_674, %swap3A_675] : memref<1x1xf32, #tpu.memory_space<smem>>
    memref.store %add3A_673, %arg4[%swap3A_674, %swap3A_675] : memref<1x1xf32, #tpu.memory_space<smem>>
    return
  }
  func.func @transform_0(%arg0: i32) -> (i32, i32, i32) {
    %c0_i32 = arith.constant 0 : i32
    %c0_i32_0 = arith.constant 0 : i32
    %c0_i32_1 = arith.constant 0 : i32
    return %arg0, %c0_i32, %c0_i32_0 : i32, i32, i32
  }
  func.func @transform_1(%arg0: i32) -> (i32, i32) {
    %c0_i32 = arith.constant 0 : i32
    %c0_i32_0 = arith.constant 0 : i32
    %c0_i32_1 = arith.constant 0 : i32
    return %c0_i32, %c0_i32_0 : i32, i32
  }
  func.func @transform_2(%arg0: i32) -> (i32, i32, i32) {
    %c0_i32 = arith.constant 0 : i32
    %c0_i32_0 = arith.constant 0 : i32
    %c0_i32_1 = arith.constant 0 : i32
    return %arg0, %c0_i32, %c0_i32_0 : i32, i32, i32
  }
  func.func @transform_3(%arg0: i32) -> (i32, i32) {
    %c0_i32 = arith.constant 0 : i32
    %c0_i32_0 = arith.constant 0 : i32
    %c0_i32_1 = arith.constant 0 : i32
    return %c0_i32, %c0_i32_0 : i32, i32
  }
}

</mosaic_0001>

<sc_bundles>
// kernel: _vq.4.cloned.1.call-start
scs
__scs_entry_jumppad:
0x0: {  	(pc) =	sbr.rel $0x88, $3  }
0x1: {  	(tag) =	ssettag $0x0;
	lr =	simm.s32 $0x1  }
0x2: {  	[smem:$0x3F9F] =	sst lr;
	_ =	strace $0xD0000000  }
0x3: {  	_ = 	snop  }
0x4: {  	_ = 	snop  }
0x5: {  	_ = 	snop  }
0x6: {  	_ = 	snop  }
0x7: {  	_ = 	snop  }
__scs_overlays_trampoline_lowered:
0x8: {  	[smem:$0x3FAE] =	sst s0  }
0x9: {  	[smem:$0x3FAF] =	sst s1  }
0xa: {  	[smem:$0x3FB0] =	sst s2  }
0xb: {  	[smem:$0x3FB1] =	sst s3  }
0xc: {  	[smem:$0x3FB2] =	sst s4  }
0xd: {  	[smem:$0x3FB3] =	sst s5  }
0xe: {  	[smem:$0x3FB4] =	sst s6  }
0xf: {  	[smem:$0x3FB5] =	sst s7  }
0x10: {  	[smem:$0x3FB6] =	sst s8  }
0x11: {  	[smem:$0x3FB7] =	sst s9;
	s0 =	simm.s32 @!p0 $0x0  }
0x12: {  	s1 =	sld [smem:$0x3F9D];
	s0 =	simm.s32 @p0 $0x1  }
0x13: {  	[smem:$0x3FB8] =	sst s0;
	s0 =	simm.s32 @!p1 $0x0  }
0x14: {  	s2 =	sld [smem:$0x3F9C];
	s0 =	simm.s32 @p1 $0x1  }
0x15: {  	[smem:$0x3FB9] =	sst s0;
	s0 =	simm.s32 @!p2 $0x0  }
0x16: {  	s3 =	sld [smem:$0x3FDB];
	s0 =	simm.s32 @p2 $0x1  }
0x17: {  	s4 =	simm.s32 $0x1BF5;
	[smem:$0x3FBB] =	sst s0  }
0x18: {  	s0 =	sld [smem:$0x3F9E];
	_ =	swait.ge [sflag:s4], $0x0  }
0x19: {  	s7 =	sld [smem:$0x3F9F]  }
0x1a: {  	s8 =	sadd.s32 $0xFFFFE003, lr  }
0x1b: {  	s9 =	sadd.s32 $0xFFFFFEF7, lr;
	s5 =	simm.s32 $0xFFFFFFFF;
	p2 =	slt.u32 s8, $0xFFFFF086  }
0x1c: {  	p1 =	slt.u32 s9, $0xF7A;
	s5 =	simm.s32 @!p2 $0x0  }
0x1d: {  	s5 =	simm.s32 @p1 $0x1;
	p0 =	seq.s32 s7, s2  }
0x1e: {  	s7 =	smul.u32 @!p0 $0xF7A, s2;
	p2 =	seq.s32 @!p0 s5, $0x0  }
0x1f: {  	s9 =	smul.u32 $0xF7A, s1;
	s8 =	simm.s32 @!p0 $0x1BF5;
	p2 =	por !p2, p0  }
0x20: {  	[sflag:s8] =	ssyncset.s32 @!p0 $0xFFFFF086;
	s6 =	sadd.s32 @!p0 s3, s7;
	s7 =	simm.s32 @!p0 $0x108  }
0x21: {  	s3 =	sadd.s32 s3, s9;
	s6 =	sadd.s32 @!p0 $0x88, s6;
	s7 =	simm.s32 @p2 $0x1082  }
0x22: {  	[simem:s7], [sflag:s8] =	dma.local @!p0 [hbm:s6], $0xF7A  }
0x23: {  	s9 =	sor.u32 $0xD0000000, s2;
	s6 =	simm.s32 $0x108;
	_ =	swait.ge @!p0 [sflag:s8], $0x0  }
0x24: {  	s3 =	sadd.s32 $0x88, s3;
	s6 =	simm.s32 @!p1 $0x1082;
	[sflag:s4] =	ssyncset.s32 $0xFFFFF086  }
0x25: {  	[simem:s6], [sflag:s4] =	dma.local [hbm:s3], $0xF7A  }
0x26: {  	[smem:$0x3F9F] =	sst s1;
	(tag) =	ssettag s2;
	_ =	strace s9  }
0x27: {  	s1 =	sld [smem:$0x3FAF]  }
0x28: {  	s2 =	sld [smem:$0x3FB0]  }
0x29: {  	s4 =	sld [smem:$0x3FB2]  }
0x2a: {  	p0 =	seq.s32 s5, $0x0;
	s5 =	sld [smem:$0x3FB3]  }
0x2b: {  	s6 =	sld [smem:$0x3FB4]  }
0x2c: {  	s7 =	sld [smem:$0x3FB5]  }
0x2d: {  	s3 =	simm.s32 $0x108;
	s8 =	sld [smem:$0x3FB6]  }
0x2e: {  	s3 =	simm.s32 @!p0 $0x1082;
	s9 =	sld [smem:$0x3FB7]  }
0x2f: {  	lr =	sadd.s32 s0, s3;
	s0 =	sld [smem:$0x3FAE]  }
0x30: {  	s3 =	sld [smem:$0x3FB1]  }
0x31: {  	[smem:$0x3FBA] =	sst s10  }
0x32: {  	s10 =	sld [smem:$0x3FB8];
	_ =	sdelay $0x3  }
0x33: {  	p0 =	seq.s32 s10, $0x1;
	s10 =	sld [smem:$0x3FBA];
	_ =	sdelay $0x3  }
0x34: {  	[smem:$0x3FBA] =	sst s10  }
0x35: {  	s10 =	sld [smem:$0x3FB9];
	_ =	sdelay $0x3  }
0x36: {  	p1 =	seq.s32 s10, $0x1;
	s10 =	sld [smem:$0x3FBA];
	_ =	sdelay $0x3  }
0x37: {  	[smem:$0x3FBA] =	sst s10  }
0x38: {  	s10 =	sld [smem:$0x3FBB]  }
0x39: {  	_ = 	snop;
	(pc) =	sbr.ind lr, $3  }
0x3a: {  	_ = 	snop  }
0x3b: {  	_ = 	snop  }
0x3c: {  	p2 =	seq.s32 s10, $0x1;
	s10 =	sld [smem:$0x3FBA]  }
0x3d: {  	_ =	shalt  }
0x3e: {  	_ =	shalt  }
0x3f: {  	_ =	shalt  }
0x40: {  	_ =	shalt  }
0x41: {  	_ =	shalt  }
0x42: {  	_ =	shalt  }
0x43: {  	_ =	shalt  }
0x44: {  	_ =	shalt  }
0x45: {  	_ =	shalt  }
0x46: {  	_ =	shalt  }
0x47: {  	_ =	shalt  }
0x48: {  	_ =	shalt  }
0x49: {  	_ =	shalt  }
0x4a: {  	_ =	shalt  }
0x4b: {  	_ =	shalt  }
0x4c: {  	_ =	shalt  }
0x4d: {  	_ =	shalt  }
0x4e: {  	_ =	shalt  }
0x4f: {  	_ =	shalt  }
0x50: {  	_ =	shalt  }
0x51: {  	_ =	shalt  }
0x52: {  	_ =	shalt  }
0x53: {  	_ =	shalt  }
0x54: {  	_ =	shalt  }
0x55: {  	_ =	shalt  }
0x56: {  	_ =	shalt  }
0x57: {  	_ =	shalt  }
0x58: {  	_ =	shalt  }
0x59: {  	_ =	shalt  }
0x5a: {  	_ =	shalt  }
0x5b: {  	_ =	shalt  }
0x5c: {  	_ =	shalt  }
0x5d: {  	_ =	shalt  }
0x5e: {  	_ =	shalt  }
0x5f: {  	_ =	shalt  }
0x60: {  	_ =	shalt  }
0x61: {  	_ =	shalt  }
0x62: {  	_ =	shalt  }
0x63: {  	_ =	shalt  }
0x64: {  	_ =	shalt  }
0x65: {  	_ =	shalt  }
0x66: {  	_ =	shalt  }
0x67: {  	_ =	shalt  }
0x68: {  	_ =	shalt  }
0x69: {  	_ =	shalt  }
0x6a: {  	_ =	shalt  }
0x6b: {  	_ =	shalt  }
0x6c: {  	_ =	shalt  }
0x6d: {  	_ =	shalt  }
0x6e: {  	_ =	shalt  }
0x6f: {  	_ =	shalt  }
0x70: {  	_ =	shalt  }
0x71: {  	_ =	shalt  }
0x72: {  	_ =	shalt  }
0x73: {  	_ =	shalt  }
0x74: {  	_ =	shalt  }
0x75: {  	_ =	shalt  }
0x76: {  	_ =	shalt  }
0x77: {  	_ =	shalt  }
0x78: {  	_ =	shalt  }
0x79: {  	_ =	shalt  }
0x7a: {  	_ =	shalt  }
0x7b: {  	_ =	shalt  }
0x7c: {  	_ =	shalt  }
0x7d: {  	_ =	shalt  }
0x7e: {  	_ =	shalt  }
0x7f: {  	_ =	shalt  }
0x80: {  	_ =	shalt  }
0x81: {  	_ =	shalt  }
0x82: {  	_ =	shalt  }
0x83: {  	_ =	shalt  }
0x84: {  	_ =	shalt  }
0x85: {  	_ =	shalt  }
0x86: {  	_ =	shalt  }
0x87: {  	_ =	shalt  }
.Lfunc_end0:
.L_simem_size_0:
called_computation_lowered:
.L_overlay_start_0:
0x88: {  	s2 =	sld [smem:$0x3FD9]  }
0x89: {  	s3 =	sld [smem:$0x3FFE];
	_ =	sdelay $0x1  }
0x8a: {  	s1 =	srdreg.scid  }
0x8b: {  	s0 =	sand.u32 $0x1, s1  }
0x8c: {  	s14 =	sshll.u32 s0, $0xA;
	s2 =	sadd.s32 s3, s2  }
0x8d: {  	s2 =	sadd.s32 s2, s14  }
0x8e: {  	[smem:$0x3FC6] =	sst s2  }
0x8f: {  	_ = 	snop  }
0x90: {  	s2 =	sld [smem:$0x3FD0];
	_ =	sdelay $0x2  }
0x91: {  	s15 =	simm.s32 $0xA;
	s4 =	simm.s32 $0x10  }
0x92: {  	[smem:s4], [sflag:s15] =	dma.local [hbm:s2], $0x1  }
0x93: {  	_ =	swait.eq [sflag:s15], $0x1  }
0x94: {  	[sflag:s15] =	ssyncset.done $0x0  }
0x95: {  	[sflag:s15] =	ssyncadd.s32 $0xFFFFFFFF  }
0x96: {  	s16 =	sld [smem:$0x10];
	(tm) =	ssettm $0x1  }
0x97: {  	s17 =	sld [smem:$0x3FFB];
	_ =	sdelay $0x3  }
0x98: {  	_ =	strace s17  }
0x99: {  	s3 =	sld [smem:$0x3FFC];
	_ =	sdelay $0x3  }
0x9a: {  	_ =	strace s3  }
0x9b: {  	s3 =	sld [smem:$0x3FFD];
	_ =	sdelay $0x3  }
0x9c: {  	_ =	strace s3  }
0x9d: {  	_ =	strace $0x8FFFFFFF  }
0x9e: {  	s18 =	sld [smem:$0x3FDB];
	_ =	sdelay $0x1  }
0x9f: {  	s19 =	simm.s32 $_scs_section_size  }
0xa0: {  	s5 =	simm.s32 $_size__tile_overlayer_lowered;
	s6 =	simm.s32 $_tile_overlayer_lowered  }
0xa1: {  	s22 =	simm.s32 $0x1BFF;
	s21 =	sshll.u32 s6, $0x1;
	s3 =	sadd.s32 s19, s18  }
0xa2: {  	s7 =	simm.s32 $0x0;
	s20 =	sshll.u32 s5, $0x1;
	s5 =	sadd.s32 s21, s3  }
0xa3: {  	[timem:s7], [sflag:s22] =	dma.local [hbm:s5], s20  }
0xa4: {  	_ =	swait.ge [sflag:s22], s20  }
0xa5: {  	s4 =	ssub.s32 $0x0, s20;
	[sflag:s22] =	ssyncset.done $0x0  }
0xa6: {  	[sflag:s22] =	ssyncadd.s32 s4;
	_ =	sdelay $0x1  }
0xa7: {  	s23 =	simm.s32 $0x1B8B  }
0xa8: {  	_ =	swait.ge [sflag:s23], $0x1  }
0xa9: {  	[sflag:s23] =	ssyncset.done $0x0  }
0xaa: {  	s25 =	simm.s32 $0x1B8E;
	s24 =	sld [smem:$0x3FFE];
	[sflag:s23] =	ssyncadd.s32 $0xFFFFFFFF  }
0xab: {  	s26 =	simm.s32 $execute0_lowered;
	[smem:$0x3FD2] =	sst s25  }
0xac: {  	s5 =	sshll.u32 s26, $0x1;
	_ =	strace $0x80000046;
	[dreg:$0x1] =	wrdreg $0xFFFFFFFF  }
0xad: {  	s28 =	simm.s32 $_size_execute0_lowered;
	s3 =	sadd.s32 s3, s5;
	[dreg:$0x0] =	wrdreg $0x0  }
0xae: {  	s5 =	sshll.u32 s28, $0x1;
	[dreg:$0x2] =	wrdreg s3  }
0xaf: {  	[dreg:$0x3] =	wrdreg s5  }
0xb0: {  	[dreg:$0x4] =	wrdreg $0xC0  }
0xb1: {  	_ =	task [dreg:s7], $0x5FFFF  }
0xb2: {  	[dreg:$0x1] =	wrdreg $0xFFFFFFFF  }
0xb3: {  	[dreg:$0x0] =	wrdreg $0x60  }
0xb4: {  	[dreg:$0x2] =	wrdreg s24  }
0xb5: {  	[dreg:$0x3] =	wrdreg s16  }
0xb6: {  	[dreg:$0x4] =	wrdreg $0x9  }
0xb7: {  	_ =	task.clear_ibuf [dreg:s7], $0x5FFFF;
	_ =	strace $0x90000046  }
0xb8: {  	s29 =	simm.s32 $0x9;
	_ =	strace $0x80000048  }
0xb9: {  	_ =	swait.ge [sflag:s29], $0x1  }
0xba: {  	[sflag:s29] =	ssyncadd.s32 $0xFFFFFFFF  }
0xbb: {  	_ =	strace $0x90000048  }
0xbc: {  	_ =	sfence  }
0xbd: {  	s30 =	sld [smem:$0x0];
	_ =	sdelay $0x2  }
0xbe: {  	s31 =	sshll.u32 s1, $0xD;
	s1 =	sshrl.u32 s1, $0x2  }
0xbf: {  	s3 =	sand.u32 $0x4000, s31;
	s1 =	sadd.s32 s1, s30  }
0xc0: {  	s0 =	sor.u32 s3, s0;
	s1 =	sshll.u32 s1, $0x11  }
0xc1: {  	s0 =	sor.u32 s1, s0  }
0xc2: {  	s0 =	sadd.s32 $0x8F2B, s0  }
0xc3: {  	[sflag:s0] =	ssyncadd.remote.s32 $0x1  }
0xc4: {  	_ =	sfence.sel $0xFFFF  }
0xc5: {  	[dreg:$0x0] =	wrdreg $0xFFFFFFFF;
	(pc) =	sbr.abs _section_cstart, $3  }
0xc6: {  	[dreg:$0x1] =	wrdreg $0xFFFFFFFF  }
0xc7: {  	_ =	task.clear_ibuf [dreg:s7], $0x2FFFF;
	_ =	strace $0x9FFFFFFF  }
0xc8: {  	(tm) =	ssettm $0x7FFFFFFF  }
0xc9: {  	_ =	shalt  }
tec
execute0_lowered:
.L_overlay_start_1:
0x0: {  	(tag) =	ssettag $0x1  }
0x1: {  	s1 =	srdreg.scid  }
0x2: {  	s0 =	stileid.u32;
	s12 =	sand.u32 $0x1, s1  }
0x3: {  	s31 =	sshll.u32 s0, $0xC;
	s2 =	sshll.u32 s12, $0xB  }
0x4: {  	s5 =	rddreg [dreg:$0x0];
	s11 =	sor.u32 s2, s31  }
0x5: {  	s10 =	rddreg [dreg:$0x1];
	s2 =	simm.s32 $0x0;
	s3 =	sshrl.u32 s11, $0x3  }
0x6: {  	s4 =	simm.s32 $0x5;
	[smem:$0x7FF] =	sst s2;
	s3 =	sadd.s32 s3, s5  }
0x7: {  	s1 =	rddreg [dreg:$0x2];
	_ =	strace $0x80000047;
	s3 =	sadd.s32 $0x1200, s3  }
0x8: {  	[tilespmem:s2], [sflag:$0x5] =	stream.linear.gather [hbm4b:s3+s2], $0x800, $0x38;
	[tilespmem:$0x10800] =	vst v63  }
0x9: {  	_ =	swait.ge [sflag:s4], $0x800  }
0xa: {  	s6 =	simm.s32 $0x400;
	[sflag:s4] =	ssyncset.done $0x0  }
0xb: {  	s7 =	simm.s32 $0x800;
	s5 =	sadd.s32 $0xA00, s5;
	[sflag:s4] =	ssyncadd.s32 $0xFFFFF800  }
0xc: {  	[tilespmem:s7], [sflag:$0x1] =	stream.indirect.gather [hbm4b:s5+s6], $0x20, s2, s6, $0xb8;
	[tilespmem:$0x10800] =	vst v63  }
0xd: {  	s8 =	simm.s32 $0x8800;
	s9 =	simm.s32 $0x1  }
0xe: {  	[tilespmem:s8], [sflag:$0x2] =	stream.indirect.gather [hbm4b:s5+s6], $0x20, s6, s6, $0xb8;
	[tilespmem:$0x10800] =	vst v63  }
0xf: {  	s14 =	ssub.s32 $0x2, s12;
	_ =	swait.ge [sflag:s9], $0x8000  }
0x10: {  	s15 =	sshrl.u32 s14, $0x1;
	s11 =	sshll.u32 s11, $0x2;
	[sflag:s9] =	ssyncset.done $0x0  }
0x11: {  	s10 =	sadd.s32 s10, s11;
	s11 =	simm.s32 $0x2;
	[sflag:s9] =	ssyncadd.s32 $0xFFFF8000  }
0x12: {  	[hbm4b:s10+s2] =	stream.linear.scatter [tilespmem:s7], [sflag:$0x3], $0x8000, $0x38;
	[tilespmem:$0x10800] =	vst v63  }
0x13: {  	s14 =	ssub.s32 s14, s15;
	_ =	swait.ge [sflag:s11], $0x8000  }
0x14: {  	s13 =	simm.s32 $0x3;
	s15 =	smax.u32 s14, $0x1;
	[sflag:s11] =	ssyncset.done $0x0  }
0x15: {  	s12 =	sadd.s32 $0x1000, s10;
	p0 =	sne.s32 s15, $0x1;
	[sflag:s11] =	ssyncadd.s32 $0xFFFF8000  }
0x16: {  	[hbm4b:s12+s2] =	stream.linear.scatter [tilespmem:s8], [sflag:$0x4], $0x8000, $0x38;
	[tilespmem:$0x10800] =	vst v63  }
.Ltmp0:
0x17: {  	_ =	swait.ge [sflag:s13], $0x8000;
	(pc) =	sbr.rel @!p0 .LBB2_2-.Ltmp0, $4  }
0x18: {  	[sflag:s13] =	ssyncset.done $0x0  }
0x19: {  	s14 =	simm.s32 $0x4;
	[sflag:s13] =	ssyncadd.s32 $0xFFFF8000  }
0x1a: {  	_ =	swait.ge [sflag:s14], $0x8000  }
0x1b: {  	s15 =	sadd.s32 $0xFFFFFFFF, s15;
	[sflag:s14] =	ssyncset.done $0x0  }
.LBB2_1:
0x1c: {  	p0 =	sne.s32 s15, $0x1;
	s15 =	sadd.s32 $0xFFFFFFFF, s15;
	[sflag:s14] =	ssyncadd.s32 $0xFFFF8000  }
0x1d: {  	[tilespmem:s2], [sflag:$0x5] =	stream.linear.gather [hbm4b:s3+s2], $0x800, $0x38;
	[tilespmem:$0x10800] =	vst v63  }
0x1e: {  	_ =	swait.ge [sflag:s4], $0x800  }
0x1f: {  	[sflag:s4] =	ssyncset.done $0x0  }
0x20: {  	[sflag:s4] =	ssyncadd.s32 $0xFFFFF800  }
0x21: {  	[tilespmem:s7], [sflag:$0x1] =	stream.indirect.gather [hbm4b:s5+s6], $0x20, s2, s6, $0xb8;
	[tilespmem:$0x10800] =	vst v63  }
0x22: {  	_ = 	snop  }
0x23: {  	[tilespmem:s8], [sflag:$0x2] =	stream.indirect.gather [hbm4b:s5+s6], $0x20, s6, s6, $0xb8;
	[tilespmem:$0x10800] =	vst v63  }
0x24: {  	_ =	swait.ge [sflag:s9], $0x8000  }
0x25: {  	[sflag:s9] =	ssyncset.done $0x0  }
0x26: {  	[sflag:s9] =	ssyncadd.s32 $0xFFFF8000  }
0x27: {  	[hbm4b:s10+s2] =	stream.linear.scatter [tilespmem:s7], [sflag:$0x3], $0x8000, $0x38;
	[tilespmem:$0x10800] =	vst v63  }
0x28: {  	_ =	swait.ge [sflag:s11], $0x8000  }
0x29: {  	[sflag:s11] =	ssyncset.done $0x0  }
0x2a: {  	[sflag:s11] =	ssyncadd.s32 $0xFFFF8000  }
0x2b: {  	[hbm4b:s12+s2] =	stream.linear.scatter [tilespmem:s8], [sflag:$0x4], $0x8000, $0x38;
	[tilespmem:$0x10800] =	vst v63  }
.Ltmp1:
0x2c: {  	_ =	swait.ge [sflag:s13], $0x8000;
	(pc) =	sbr.rel @p0 .LBB2_1-.Ltmp1, $4  }
0x2d: {  	[sflag:s13] =	ssyncset.done $0x0  }
0x2e: {  	[sflag:s13] =	ssyncadd.s32 $0xFFFF8000  }
0x2f: {  	_ =	swait.ge [sflag:s14], $0x8000  }
0x30: {  	[sflag:s14] =	ssyncset.done $0x0  }
.LBB2_2:
0x31: {  	[sflag:s14] =	ssyncadd.s32 $0xFFFF8000  }
0x32: {  	_ =	sfence.sel $0x180000  }
0x33: {  	[bflag:$0x0] =	sbarrier.arrive $0xFFFF  }
0x34: {  	p0 =	sne.s32 s0, $0x0;
	_ =	strace $0x90000047  }
0x35: {  	s0 =	sadd.s32 @!p0 $0x100000, s1;
	[bflag:$0x2] =	sbarrier.arrive $0xFFFF  }
0x36: {  	[sflag:s0] =	ssyncadd.tile.s32 @!p0 $0x1;
	_ =	shalt  }
.Lfunc_end2:
_tile_overlayer_lowered:
.L_overlay_start_2:
0x37: {  	(tag) =	ssettag $0x2  }
0x38: {  	s0 =	rddreg [dreg:$0x0];
	s2 =	stileid.u32  }
0x39: {  	s1 =	rddreg [dreg:$0x1];
	p0 =	sne.s32 s2, $0x0  }
0x3a: {  	s3 =	rddreg [dreg:$0x2];
	[bflag:$0x3] =	sbarrier.arrive $0xFFFF;
	s2 =	simm.s32 @!p0 $0x1C05  }
0x3b: {  	[timem:s3], [sflag:s2] =	dma.local @!p0 [hbm:s0], s1  }
0x3c: {  	s0 =	simm.s32 @!p0 $0x5  }
0x3d: {  	_ =	swait.ge @!p0 [sflag:s0], s1  }
0x3e: {  	s1 =	ssub.s32 @!p0 $0x0, s1;
	[sflag:s0] =	ssyncset.done @!p0 $0x0  }
0x3f: {  	[sflag:s0] =	ssyncadd.s32 @!p0 s1  }
0x40: {  	[bflag:$0x3] =	sbarrier.arrive $0xFFFF  }
0x41: {  	_ =	shalt  }

</sc_bundles>
